<compile_context>
chip_gen: v7x
topology: tpu7x:2x2x1
jax: 0.10.2.dev20260603
libtpu: 0.0.44.dev20260713+nightly
codegen_flags: <defaults>
</compile_context>

<pallas_src>
import functools

import jax
import jax.numpy as jnp
from jax import lax
from jax.experimental import pallas as pl
from jax.experimental.pallas import tpu as pltpu
from jax.experimental.pallas import tpu_sc as plsc

_L = 16


def _entropy_cols(l0, l1):
    m = jnp.maximum(l0, l1)
    e0 = jnp.exp(l0 - m)
    e1 = jnp.exp(l1 - m)
    tot = e0 + e1
    p0 = e0 / tot
    p1 = e1 / tot
    eps = 1e-10
    factor = 1.0 + 0.01 / (1.0 + 1 * 0)
    h = ((p0 + eps) * jnp.log(1.0 / (p0 + eps) + eps)
         + (p1 + eps) * jnp.log(1.0 / (p1 + eps) + eps))
    return h * factor


def _entropy_tc_body(xn_ref, xc_ref, hn_ref, hc_ref):
    hn_ref[...] = _entropy_cols(xn_ref[0, :], xn_ref[1, :])
    hc_ref[...] = _entropy_cols(xc_ref[0, :], xc_ref[1, :])


def _floor16(x):
    t = x.astype(jnp.int32).astype(jnp.float32)
    return t - jnp.where(x < t, 1.0, 0.0)


def _rmw_max(ref, idx, s):
    ks, vi = plsc.sort_key_val(s, idx)
    _, last = plsc.scan_count(vi)
    cur = plsc.load_gather(ref, [vi])
    plsc.store_scatter(ref, [vi], jnp.maximum(cur, ks), mask=last)


def _make_sc_kernel(n_nodes, n_edges):
    try:
        info = plsc.get_sparse_core_info()
        ns = info.num_subcores
    except ValueError:
        ns = 16
    nw = ns
    slc = ((n_nodes + ns * _L - 1) // (ns * _L)) * _L
    n_pad = ns * slc
    chunk = ((n_edges + nw * _L - 1) // (nw * _L)) * _L
    tail = n_edges - (nw - 1) * chunk
    assert tail > 0 and tail % _L == 0 and chunk % 32 == 0
    assert n_pad % 128 == 0 and slc % _L == 0
    mesh = plsc.VectorSubcoreMesh(core_axis_name="c", subcore_axis_name="s",
                                  num_cores=1)

    @functools.partial(
        pl.kernel,
        out_type=(
            jax.ShapeDtypeStruct((n_edges,), jnp.float32),
            jax.ShapeDtypeStruct((ns * n_pad,), jnp.float32),
            jax.ShapeDtypeStruct((n_pad,), jnp.float32),
        ),
        mesh=mesh,
        compiler_params=pltpu.CompilerParams(needs_layout_passes=False),
        scratch_types=[
            pltpu.VMEM((n_pad,), jnp.float32),
            pltpu.VMEM((n_pad,), jnp.float32),
            pltpu.VMEM((chunk,), jnp.int32),
            pltpu.VMEM((chunk,), jnp.int32),
            pltpu.VMEM((chunk,), jnp.float32),
            pltpu.VMEM((chunk,), jnp.float32),
            pltpu.SemaphoreType.DMA,
        ],
    )
    def sc_all(hn, hc, ei, out, partials, global_nm, h_v, nm_v, src_v, dst_v,
               hc_v, sc_v, sem):
        sid = lax.axis_index("s")
        wid = sid
        base = wid * chunk

        h_copy = pltpu.async_copy(hn, h_v.at[pl.ds(0, n_nodes)], sem)

        zeros = jnp.zeros((_L,), jnp.float32)

        def zero_body(j, _):
            for u in range(8):
                nm_v[pl.ds(j * 8 * _L + u * _L, _L)] = zeros
            return 0

        lax.fori_loop(0, n_pad // (8 * _L), zero_body, 0)

        pltpu.sync_copy(ei.at[pl.ds(base, chunk)], src_v)

        @pl.when(wid < nw - 1)
        def _():
            pltpu.sync_copy(ei.at[pl.ds(n_edges + base, chunk)], dst_v)
            pltpu.sync_copy(hc.at[pl.ds(base, chunk)], hc_v)

        @pl.when(wid == nw - 1)
        def _():
            pltpu.sync_copy(ei.at[pl.ds(n_edges + base, tail)],
                            dst_v.at[pl.ds(0, tail)])
            pltpu.sync_copy(hc.at[pl.ds(base, tail)],
                            hc_v.at[pl.ds(0, tail)])
            izeros = jnp.zeros((_L,), jnp.int32)
            for u in range((chunk - tail) // _L):
                dst_v[pl.ds(tail + u * _L, _L)] = izeros
        h_copy.wait()

        iota = lax.iota(jnp.int32, _L)

        def edge_body(j, _):
            for u in range(2):
                off = (j * 2 + u) * _L
                sl = pl.ds(off, _L)
                si = src_v[sl]
                di = dst_v[sl]
                hcv = hc_v[sl]
                hs = plsc.load_gather(h_v, [si])
                hd = plsc.load_gather(h_v, [di])
                a = hs - hcv
                b = hd - hcv
                fa = _floor16(a)
                fb = _floor16(b)
                s = (2.0 + a) * (2.0 + b) * ((1.0 + fa) * (1.0 + fb))
                lane = base + off + iota
                s = jnp.where(lane < n_edges, s, 0.0)
                sc_v[sl] = s
                _rmw_max(nm_v, si, s)
                _rmw_max(nm_v, di, s)
            return 0

        lax.fori_loop(0, chunk // (2 * _L), edge_body, 0)

        pltpu.sync_copy(nm_v, partials.at[pl.ds(sid * n_pad, n_pad)])
        plsc.subcore_barrier()
        red_copy = None
        for t in range(ns):
            red_copy = pltpu.async_copy(
                partials.at[pl.ds(t * n_pad + sid * slc, slc)],
                h_v.at[pl.ds(t * slc, slc)], sem)
        for t in range(ns):
            red_copy.wait()

        def red_body(j, _):
            off = j * _L
            acc = h_v[pl.ds(off, _L)]
            for t in range(1, ns):
                acc = jnp.maximum(acc, h_v[pl.ds(t * slc + off, _L)])
            nm_v[pl.ds(off, _L)] = acc
            return 0

        lax.fori_loop(0, slc // _L, red_body, 0)
        pltpu.sync_copy(nm_v.at[pl.ds(0, slc)],
                        global_nm.at[pl.ds(sid * slc, slc)])
        plsc.subcore_barrier()
        pltpu.sync_copy(global_nm, h_v.at[pl.ds(0, n_pad)])

        def sel_body(j, _):
            for u in range(2):
                sl = pl.ds((j * 2 + u) * _L, _L)
                s = sc_v[sl]
                ms = plsc.load_gather(h_v, [src_v[sl]])
                md = plsc.load_gather(h_v, [dst_v[sl]])
                keep = (s > 0.0) & (s >= ms) & (s >= md)
                sc_v[sl] = jnp.where(keep, s, 0.0)
            return 0

        lax.fori_loop(0, chunk // (2 * _L), sel_body, 0)

        @pl.when(wid < nw - 1)
        def _():
            pltpu.sync_copy(sc_v, out.at[pl.ds(base, chunk)])

        @pl.when(wid == nw - 1)
        def _():
            pltpu.sync_copy(sc_v.at[pl.ds(0, tail)], out.at[pl.ds(base, tail)])

    return sc_all


@jax.jit
def kernel(node_logits, comb_logits, edge_index):
    n_nodes = node_logits.shape[0]
    n_edges = comb_logits.shape[0]
    sc_all = _make_sc_kernel(n_nodes, n_edges)

    xn = node_logits.T
    xc = comb_logits.T
    hn, hc = pl.pallas_call(
        _entropy_tc_body,
        out_shape=(
            jax.ShapeDtypeStruct((n_nodes,), jnp.float32),
            jax.ShapeDtypeStruct((n_edges,), jnp.float32),
        ),
    )(xn, xc)
    ei = edge_index.reshape(2 * n_edges)
    return sc_all(hn, hc, ei)[0]

# --- scband reference (transcript-rebuilt; emitter-appended) ---
"""Pipeline reference for scband-edgepooling-training-20117626814485 (READ-ONLY COPY).

The authoritative reference and input builder live on the scoring server;
editing this copy changes nothing except your own understanding.
"""

import jax, jax.numpy as jnp
import numpy as np

MERGE_P = 0.01
SPLIT_Q = 0.01
MULT_FAC = 1
POOL_IT = 0


def _entropy(p, factor):
    eps = 1e-10
    return ((p[0] + eps) * jnp.log(1.0 / (p[0] + eps) + eps)
            + (p[1] + eps) * jnp.log(1.0 / (p[1] + eps) + eps)) * factor


def _compute_scores(node_logits, comb_logits, src, dst):
    # per-node class distribution (stand-in for self.model subgraph scores)
    enodes = jax.nn.softmax(node_logits, axis=-1)          # [N, 2]
    esrc = enodes[src].T                                   # [2, E] gather
    edest = enodes[dst].T                                  # [2, E] gather
    ecomb = jax.nn.softmax(comb_logits, axis=-1).T         # [2, E]
    f_split = 1.0 + SPLIT_Q / (1.0 + MULT_FAC * POOL_IT)
    f_merge = 1.0 + MERGE_P / (1.0 + MULT_FAC * POOL_IT)
    hstc = _entropy(esrc, f_split)
    hdest = _entropy(edest, f_split)
    hcomb = _entropy(ecomb, f_merge)
    # dont_allow_disag score (allow_disag=False default)
    scores = ((2.0 + (hstc - hcomb)) * (2.0 + (hdest - hcomb))
              * ((1.0 + jnp.floor(hstc - hcomb)) * (1.0 + jnp.floor(hdest - hcomb))))
    return scores


def _greedy_select(scores, src, dst, n_nodes):
    # NMS-style greedy edge selection with node suppression mask,
    # faithful to the argsort-descending + mask loop in pooling().
    order = jnp.argsort(-scores)
    BIG = 99999999.0
    E = scores.shape[0]

    def body(i, carry):
        mask, selected = carry
        e = order[i]
        s = scores[e]
        n1 = src[e]
        n2 = dst[e]
        cond = (s > 0) & (mask[n1] <= s) & (mask[n2] <= s)
        m1 = jnp.where(cond, BIG, jnp.where((s > 0) & (mask[n1] < s), s, mask[n1]))
        mask = mask.at[n1].set(m1)
        m2 = jnp.where(cond, BIG, jnp.where((s > 0) & (mask[n2] < s), s, mask[n2]))
        mask = mask.at[n2].set(m2)
        selected = selected.at[e].set(cond)
        return (mask, selected)

    mask0 = jnp.zeros((n_nodes,), dtype=scores.dtype)
    sel0 = jnp.zeros((E,), dtype=bool)
    _, selected = jax.lax.fori_loop(0, E, body, (mask0, sel0))
    return selected


def setup_inputs(seed: int = 0):
    key = jax.random.key(seed)
    k1, k2, k3 = jax.random.split(key, 3)
    n_nodes = 20000
    n_edges = 50000
    node_logits = jax.random.normal(k1, (n_nodes, 2), dtype=jnp.float32)
    comb_logits = jax.random.normal(k2, (n_edges, 2), dtype=jnp.float32)
    edge_index = jax.random.randint(k3, (2, n_edges), 0, n_nodes, dtype=jnp.int32)
    return {"node_logits": node_logits, "comb_logits": comb_logits, "edge_index": edge_index}


def reference(node_logits, comb_logits, edge_index):
    src = edge_index[0]
    dst = edge_index[1]
    scores = _compute_scores(node_logits, comb_logits, src, dst)
    selected = _greedy_select(scores, src, dst, node_logits.shape[0])
    return scores * selected.astype(scores.dtype)

if __name__ == "__main__":
    import jax
    _d = setup_inputs()
    print(jax.jit(kernel)(*tuple(_d.values())))

</pallas_src>

<mosaic_0001>
#map = affine_map<(d0, d1) -> (0)>
module attributes {stable_mosaic.version = 14 : i64} {
  func.func @sc_all(%arg0: i32, %arg1: i32, %arg2: memref<20000xf32, #tpu.memory_space<hbm>>, %arg3: memref<50000xf32, #tpu.memory_space<hbm>>, %arg4: memref<100000xi32, #tpu.memory_space<hbm>>, %arg5: memref<50000xf32, #tpu.memory_space<hbm>>, %arg6: memref<323584xf32, #tpu.memory_space<hbm>>, %arg7: memref<20224xf32, #tpu.memory_space<hbm>>, %arg8: memref<20224xf32, #tpu.memory_space<vmem>>, %arg9: memref<20224xf32, #tpu.memory_space<vmem>>, %arg10: memref<3136xi32, #tpu.memory_space<vmem>>, %arg11: memref<3136xi32, #tpu.memory_space<vmem>>, %arg12: memref<3136xf32, #tpu.memory_space<vmem>>, %arg13: memref<3136xf32, #tpu.memory_space<vmem>>, %arg14: memref<!tpu.dma_semaphore, #tpu.memory_space<semaphore_mem>>) attributes {dimension_semantics = [#tpu.dimension_semantics<core_parallel>, #tpu.dimension_semantics<subcore_parallel>], iteration_bounds = array<i64: 1, 16>, scalar_prefetch = 0 : i64, scratch_operands = 7 : i64, tpu.core_type = #tpu.core_type<sc_vector_subcore>, window_params = [{transform_indices = #map}, {transform_indices = #map}, {transform_indices = #map}, {transform_indices = #map}, {transform_indices = #map}, {transform_indices = #map}]} {
    %mul3A = arith.constant 3136 : i32
    %mul3A_0 = arith.muli %arg1, %mul3A : i32
    %dma_start3A = arith.constant 0 : i32
    %dma_start3A_1 = tpu.memref_slice %arg8[%dma_start3A] : memref<20224xf32, #tpu.memory_space<vmem>> -> memref<20000xf32, #tpu.memory_space<vmem>>
    %dma_start3A_2 = arith.constant 0 : i32
    %dma_start3A_3 = tpu.memref_slice %arg8[%dma_start3A_2] : memref<20224xf32, #tpu.memory_space<vmem>> -> memref<20000xf32, #tpu.memory_space<vmem>>
    tpu.enqueue_dma source(%arg2 : memref<20000xf32, #tpu.memory_space<hbm>>) target(%dma_start3A_3 : memref<20000xf32, #tpu.memory_space<vmem>>) target_semaphore(%arg14 : memref<!tpu.dma_semaphore, #tpu.memory_space<semaphore_mem>>)
    %broadcast_in_dim3A = arith.constant 0.000000e+00 : f32
    %broadcast_in_dim3A_4 = vector.broadcast %broadcast_in_dim3A : f32 to vector<16xf32>
    %scan3A = arith.constant 0 : i32
    %scan3A_5 = arith.constant 0 : i32
    %scan3A_6 = arith.constant 158 : i32
    %scan3A_7 = arith.addi %scan3A_5, %scan3A_6 : i32
    %scan3A_8 = arith.constant 1 : i32
    %scan3A_9 = scf.for %scan3A_311 = %scan3A_5 to %scan3A_7 step %scan3A_8 iter_args(%scan3A_312 = %scan3A) -> (i32)  : i32 {
      %mul3A_313 = arith.constant 8 : i32
      %mul3A_314 = arith.muli %scan3A_311, %mul3A_313 : i32
      %mul3A_315 = arith.constant 16 : i32
      %mul3A_316 = arith.muli %mul3A_314, %mul3A_315 : i32
      %add3A_317 = arith.constant 0 : i32
      %add3A_318 = arith.addi %mul3A_316, %add3A_317 : i32
      %swap3A = arith.index_cast %add3A_318 : i32 to index
      %swap3A_319 = tpu.vector_load %arg9[%swap3A] {strides = array<i32>} : memref<20224xf32, #tpu.memory_space<vmem>>, vector<16xf32>,
      tpu.vector_store %arg9[%swap3A], %broadcast_in_dim3A_4 {strides = array<i32>} : memref<20224xf32, #tpu.memory_space<vmem>>, vector<16xf32>,
      %mul3A_320 = arith.constant 8 : i32
      %mul3A_321 = arith.muli %scan3A_311, %mul3A_320 : i32
      %mul3A_322 = arith.constant 16 : i32
      %mul3A_323 = arith.muli %mul3A_321, %mul3A_322 : i32
      %add3A_324 = arith.constant 16 : i32
      %add3A_325 = arith.addi %mul3A_323, %add3A_324 : i32
      %swap3A_326 = arith.index_cast %add3A_325 : i32 to index
      %swap3A_327 = tpu.vector_load %arg9[%swap3A_326] {strides = array<i32>} : memref<20224xf32, #tpu.memory_space<vmem>>, vector<16xf32>,
      tpu.vector_store %arg9[%swap3A_326], %broadcast_in_dim3A_4 {strides = array<i32>} : memref<20224xf32, #tpu.memory_space<vmem>>, vector<16xf32>,
      %mul3A_328 = arith.constant 8 : i32
      %mul3A_329 = arith.muli %scan3A_311, %mul3A_328 : i32
      %mul3A_330 = arith.constant 16 : i32
      %mul3A_331 = arith.muli %mul3A_329, %mul3A_330 : i32
      %add3A_332 = arith.constant 32 : i32
      %add3A_333 = arith.addi %mul3A_331, %add3A_332 : i32
      %swap3A_334 = arith.index_cast %add3A_333 : i32 to index
      %swap3A_335 = tpu.vector_load %arg9[%swap3A_334] {strides = array<i32>} : memref<20224xf32, #tpu.memory_space<vmem>>, vector<16xf32>,
      tpu.vector_store %arg9[%swap3A_334], %broadcast_in_dim3A_4 {strides = array<i32>} : memref<20224xf32, #tpu.memory_space<vmem>>, vector<16xf32>,
      %mul3A_336 = arith.constant 8 : i32
      %mul3A_337 = arith.muli %scan3A_311, %mul3A_336 : i32
      %mul3A_338 = arith.constant 16 : i32
      %mul3A_339 = arith.muli %mul3A_337, %mul3A_338 : i32
      %add3A_340 = arith.constant 48 : i32
      %add3A_341 = arith.addi %mul3A_339, %add3A_340 : i32
      %swap3A_342 = arith.index_cast %add3A_341 : i32 to index
      %swap3A_343 = tpu.vector_load %arg9[%swap3A_342] {strides = array<i32>} : memref<20224xf32, #tpu.memory_space<vmem>>, vector<16xf32>,
      tpu.vector_store %arg9[%swap3A_342], %broadcast_in_dim3A_4 {strides = array<i32>} : memref<20224xf32, #tpu.memory_space<vmem>>, vector<16xf32>,
      %mul3A_344 = arith.constant 8 : i32
      %mul3A_345 = arith.muli %scan3A_311, %mul3A_344 : i32
      %mul3A_346 = arith.constant 16 : i32
      %mul3A_347 = arith.muli %mul3A_345, %mul3A_346 : i32
      %add3A_348 = arith.constant 64 : i32
      %add3A_349 = arith.addi %mul3A_347, %add3A_348 : i32
      %swap3A_350 = arith.index_cast %add3A_349 : i32 to index
      %swap3A_351 = tpu.vector_load %arg9[%swap3A_350] {strides = array<i32>} : memref<20224xf32, #tpu.memory_space<vmem>>, vector<16xf32>,
      tpu.vector_store %arg9[%swap3A_350], %broadcast_in_dim3A_4 {strides = array<i32>} : memref<20224xf32, #tpu.memory_space<vmem>>, vector<16xf32>,
      %mul3A_352 = arith.constant 8 : i32
      %mul3A_353 = arith.muli %scan3A_311, %mul3A_352 : i32
      %mul3A_354 = arith.constant 16 : i32
      %mul3A_355 = arith.muli %mul3A_353, %mul3A_354 : i32
      %add3A_356 = arith.constant 80 : i32
      %add3A_357 = arith.addi %mul3A_355, %add3A_356 : i32
      %swap3A_358 = arith.index_cast %add3A_357 : i32 to index
      %swap3A_359 = tpu.vector_load %arg9[%swap3A_358] {strides = array<i32>} : memref<20224xf32, #tpu.memory_space<vmem>>, vector<16xf32>,
      tpu.vector_store %arg9[%swap3A_358], %broadcast_in_dim3A_4 {strides = array<i32>} : memref<20224xf32, #tpu.memory_space<vmem>>, vector<16xf32>,
      %mul3A_360 = arith.constant 8 : i32
      %mul3A_361 = arith.muli %scan3A_311, %mul3A_360 : i32
      %mul3A_362 = arith.constant 16 : i32
      %mul3A_363 = arith.muli %mul3A_361, %mul3A_362 : i32
      %add3A_364 = arith.constant 96 : i32
      %add3A_365 = arith.addi %mul3A_363, %add3A_364 : i32
      %swap3A_366 = arith.index_cast %add3A_365 : i32 to index
      %swap3A_367 = tpu.vector_load %arg9[%swap3A_366] {strides = array<i32>} : memref<20224xf32, #tpu.memory_space<vmem>>, vector<16xf32>,
      tpu.vector_store %arg9[%swap3A_366], %broadcast_in_dim3A_4 {strides = array<i32>} : memref<20224xf32, #tpu.memory_space<vmem>>, vector<16xf32>,
      %mul3A_368 = arith.constant 8 : i32
      %mul3A_369 = arith.muli %scan3A_311, %mul3A_368 : i32
      %mul3A_370 = arith.constant 16 : i32
      %mul3A_371 = arith.muli %mul3A_369, %mul3A_370 : i32
      %add3A_372 = arith.constant 112 : i32
      %add3A_373 = arith.addi %mul3A_371, %add3A_372 : i32
      %swap3A_374 = arith.index_cast %add3A_373 : i32 to index
      %swap3A_375 = tpu.vector_load %arg9[%swap3A_374] {strides = array<i32>} : memref<20224xf32, #tpu.memory_space<vmem>>, vector<16xf32>,
      tpu.vector_store %arg9[%swap3A_374], %broadcast_in_dim3A_4 {strides = array<i32>} : memref<20224xf32, #tpu.memory_space<vmem>>, vector<16xf32>,
      %scan3A_376 = arith.constant 0 : i32
      scf.yield %scan3A_376 : i32
    }
    %scan3A_10 = arith.constant 158 : i32
    "tpu.region"() ({
      %run_scoped3A = tpu.sem_alloc : memref<!tpu.dma_semaphore, #tpu.memory_space<semaphore_mem>>
      %dma_start3A_311 = tpu.memref_slice %arg4[%mul3A_0] : memref<100000xi32, #tpu.memory_space<hbm>> -> memref<3136xi32, #tpu.memory_space<hbm>>
      %dma_start3A_312 = tpu.memref_slice %arg4[%mul3A_0] : memref<100000xi32, #tpu.memory_space<hbm>> -> memref<3136xi32, #tpu.memory_space<hbm>>
      tpu.enqueue_dma source(%dma_start3A_312 : memref<3136xi32, #tpu.memory_space<hbm>>) target(%arg10 : memref<3136xi32, #tpu.memory_space<vmem>>) target_semaphore(%run_scoped3A : memref<!tpu.dma_semaphore, #tpu.memory_space<semaphore_mem>>)
      %dma_wait3A_313 = tpu.memref_slice %arg4[%mul3A_0] : memref<100000xi32, #tpu.memory_space<hbm>> -> memref<3136xi32, #tpu.memory_space<hbm>>
      %dma_wait3A_314 = tpu.memref_slice %arg4[%mul3A_0] : memref<100000xi32, #tpu.memory_space<hbm>> -> memref<3136xi32, #tpu.memory_space<hbm>>
      tpu.wait_dma2 semaphore(%run_scoped3A : memref<!tpu.dma_semaphore, #tpu.memory_space<semaphore_mem>>) src(%dma_wait3A_314 : memref<3136xi32, #tpu.memory_space<hbm>>) dst(%arg10 : memref<3136xi32, #tpu.memory_space<vmem>>)
      tpu.yield
    }) : () -> ()
    %lt3A = arith.constant 15 : i32
    %lt3A_11 = arith.cmpi slt, %arg1, %lt3A : i32
    %convert_element_type3A = arith.extui %lt3A_11 : i1 to i32
    %cond3A = arith.constant 0 : i32
    %cond3A_12 = arith.cmpi ne, %convert_element_type3A, %cond3A : i32
    scf.if %cond3A_12 {
      %add3A_311 = arith.constant 50000 : i32
      %add3A_312 = arith.addi %add3A_311, %mul3A_0 : i32
      "tpu.region"() ({
        %run_scoped3A = tpu.sem_alloc : memref<!tpu.dma_semaphore, #tpu.memory_space<semaphore_mem>>
        %dma_start3A_313 = tpu.memref_slice %arg4[%add3A_312] : memref<100000xi32, #tpu.memory_space<hbm>> -> memref<3136xi32, #tpu.memory_space<hbm>>
        %dma_start3A_314 = tpu.memref_slice %arg4[%add3A_312] : memref<100000xi32, #tpu.memory_space<hbm>> -> memref<3136xi32, #tpu.memory_space<hbm>>
        tpu.enqueue_dma source(%dma_start3A_314 : memref<3136xi32, #tpu.memory_space<hbm>>) target(%arg11 : memref<3136xi32, #tpu.memory_space<vmem>>) target_semaphore(%run_scoped3A : memref<!tpu.dma_semaphore, #tpu.memory_space<semaphore_mem>>)
        %dma_wait3A_315 = tpu.memref_slice %arg4[%add3A_312] : memref<100000xi32, #tpu.memory_space<hbm>> -> memref<3136xi32, #tpu.memory_space<hbm>>
        %dma_wait3A_316 = tpu.memref_slice %arg4[%add3A_312] : memref<100000xi32, #tpu.memory_space<hbm>> -> memref<3136xi32, #tpu.memory_space<hbm>>
        tpu.wait_dma2 semaphore(%run_scoped3A : memref<!tpu.dma_semaphore, #tpu.memory_space<semaphore_mem>>) src(%dma_wait3A_316 : memref<3136xi32, #tpu.memory_space<hbm>>) dst(%arg11 : memref<3136xi32, #tpu.memory_space<vmem>>)
        tpu.yield
      }) : () -> ()
      "tpu.region"() ({
        %run_scoped3A = tpu.sem_alloc : memref<!tpu.dma_semaphore, #tpu.memory_space<semaphore_mem>>
        %dma_start3A_313 = tpu.memref_slice %arg3[%mul3A_0] : memref<50000xf32, #tpu.memory_space<hbm>> -> memref<3136xf32, #tpu.memory_space<hbm>>
        %dma_start3A_314 = tpu.memref_slice %arg3[%mul3A_0] : memref<50000xf32, #tpu.memory_space<hbm>> -> memref<3136xf32, #tpu.memory_space<hbm>>
        tpu.enqueue_dma source(%dma_start3A_314 : memref<3136xf32, #tpu.memory_space<hbm>>) target(%arg12 : memref<3136xf32, #tpu.memory_space<vmem>>) target_semaphore(%run_scoped3A : memref<!tpu.dma_semaphore, #tpu.memory_space<semaphore_mem>>)
        %dma_wait3A_315 = tpu.memref_slice %arg3[%mul3A_0] : memref<50000xf32, #tpu.memory_space<hbm>> -> memref<3136xf32, #tpu.memory_space<hbm>>
        %dma_wait3A_316 = tpu.memref_slice %arg3[%mul3A_0] : memref<50000xf32, #tpu.memory_space<hbm>> -> memref<3136xf32, #tpu.memory_space<hbm>>
        tpu.wait_dma2 semaphore(%run_scoped3A : memref<!tpu.dma_semaphore, #tpu.memory_space<semaphore_mem>>) src(%dma_wait3A_316 : memref<3136xf32, #tpu.memory_space<hbm>>) dst(%arg12 : memref<3136xf32, #tpu.memory_space<vmem>>)
        tpu.yield
      }) : () -> ()
    } else {
    }
    %eq3A = arith.constant 15 : i32
    %eq3A_13 = arith.cmpi eq, %arg1, %eq3A : i32
    %convert_element_type3A_14 = arith.extui %eq3A_13 : i1 to i32
    %cond3A_15 = arith.constant 0 : i32
    %cond3A_16 = arith.cmpi ne, %convert_element_type3A_14, %cond3A_15 : i32
    scf.if %cond3A_16 {
      %add3A_311 = arith.constant 50000 : i32
      %add3A_312 = arith.addi %add3A_311, %mul3A_0 : i32
      "tpu.region"() ({
        %run_scoped3A = tpu.sem_alloc : memref<!tpu.dma_semaphore, #tpu.memory_space<semaphore_mem>>
        %dma_start3A_336 = arith.constant 0 : i32
        %dma_start3A_337 = tpu.memref_slice %arg11[%dma_start3A_336] : memref<3136xi32, #tpu.memory_space<vmem>> -> memref<2960xi32, #tpu.memory_space<vmem>>
        %dma_start3A_338 = tpu.memref_slice %arg4[%add3A_312] : memref<100000xi32, #tpu.memory_space<hbm>> -> memref<2960xi32, #tpu.memory_space<hbm>>
        %dma_start3A_339 = arith.constant 0 : i32
        %dma_start3A_340 = tpu.memref_slice %arg11[%dma_start3A_339] : memref<3136xi32, #tpu.memory_space<vmem>> -> memref<2960xi32, #tpu.memory_space<vmem>>
        %dma_start3A_341 = tpu.memref_slice %arg4[%add3A_312] : memref<100000xi32, #tpu.memory_space<hbm>> -> memref<2960xi32, #tpu.memory_space<hbm>>
        tpu.enqueue_dma source(%dma_start3A_341 : memref<2960xi32, #tpu.memory_space<hbm>>) target(%dma_start3A_340 : memref<2960xi32, #tpu.memory_space<vmem>>) target_semaphore(%run_scoped3A : memref<!tpu.dma_semaphore, #tpu.memory_space<semaphore_mem>>)
        %dma_wait3A_342 = arith.constant 0 : i32
        %dma_wait3A_343 = tpu.memref_slice %arg11[%dma_wait3A_342] : memref<3136xi32, #tpu.memory_space<vmem>> -> memref<2960xi32, #tpu.memory_space<vmem>>
        %dma_wait3A_344 = tpu.memref_slice %arg4[%add3A_312] : memref<100000xi32, #tpu.memory_space<hbm>> -> memref<2960xi32, #tpu.memory_space<hbm>>
        %dma_wait3A_345 = arith.constant 0 : i32
        %dma_wait3A_346 = tpu.memref_slice %arg11[%dma_wait3A_345] : memref<3136xi32, #tpu.memory_space<vmem>> -> memref<2960xi32, #tpu.memory_space<vmem>>
        %dma_wait3A_347 = tpu.memref_slice %arg4[%add3A_312] : memref<100000xi32, #tpu.memory_space<hbm>> -> memref<2960xi32, #tpu.memory_space<hbm>>
        tpu.wait_dma2 semaphore(%run_scoped3A : memref<!tpu.dma_semaphore, #tpu.memory_space<semaphore_mem>>) src(%dma_wait3A_347 : memref<2960xi32, #tpu.memory_space<hbm>>) dst(%dma_wait3A_346 : memref<2960xi32, #tpu.memory_space<vmem>>)
        tpu.yield
      }) : () -> ()
      "tpu.region"() ({
        %run_scoped3A = tpu.sem_alloc : memref<!tpu.dma_semaphore, #tpu.memory_space<semaphore_mem>>
        %dma_start3A_336 = arith.constant 0 : i32
        %dma_start3A_337 = tpu.memref_slice %arg12[%dma_start3A_336] : memref<3136xf32, #tpu.memory_space<vmem>> -> memref<2960xf32, #tpu.memory_space<vmem>>
        %dma_start3A_338 = tpu.memref_slice %arg3[%mul3A_0] : memref<50000xf32, #tpu.memory_space<hbm>> -> memref<2960xf32, #tpu.memory_space<hbm>>
        %dma_start3A_339 = arith.constant 0 : i32
        %dma_start3A_340 = tpu.memref_slice %arg12[%dma_start3A_339] : memref<3136xf32, #tpu.memory_space<vmem>> -> memref<2960xf32, #tpu.memory_space<vmem>>
        %dma_start3A_341 = tpu.memref_slice %arg3[%mul3A_0] : memref<50000xf32, #tpu.memory_space<hbm>> -> memref<2960xf32, #tpu.memory_space<hbm>>
        tpu.enqueue_dma source(%dma_start3A_341 : memref<2960xf32, #tpu.memory_space<hbm>>) target(%dma_start3A_340 : memref<2960xf32, #tpu.memory_space<vmem>>) target_semaphore(%run_scoped3A : memref<!tpu.dma_semaphore, #tpu.memory_space<semaphore_mem>>)
        %dma_wait3A_342 = arith.constant 0 : i32
        %dma_wait3A_343 = tpu.memref_slice %arg12[%dma_wait3A_342] : memref<3136xf32, #tpu.memory_space<vmem>> -> memref<2960xf32, #tpu.memory_space<vmem>>
        %dma_wait3A_344 = tpu.memref_slice %arg3[%mul3A_0] : memref<50000xf32, #tpu.memory_space<hbm>> -> memref<2960xf32, #tpu.memory_space<hbm>>
        %dma_wait3A_345 = arith.constant 0 : i32
        %dma_wait3A_346 = tpu.memref_slice %arg12[%dma_wait3A_345] : memref<3136xf32, #tpu.memory_space<vmem>> -> memref<2960xf32, #tpu.memory_space<vmem>>
        %dma_wait3A_347 = tpu.memref_slice %arg3[%mul3A_0] : memref<50000xf32, #tpu.memory_space<hbm>> -> memref<2960xf32, #tpu.memory_space<hbm>>
        tpu.wait_dma2 semaphore(%run_scoped3A : memref<!tpu.dma_semaphore, #tpu.memory_space<semaphore_mem>>) src(%dma_wait3A_347 : memref<2960xf32, #tpu.memory_space<hbm>>) dst(%dma_wait3A_346 : memref<2960xf32, #tpu.memory_space<vmem>>)
        tpu.yield
      }) : () -> ()
      %broadcast_in_dim3A_313 = arith.constant 0 : i32
      %broadcast_in_dim3A_314 = vector.broadcast %broadcast_in_dim3A_313 : i32 to vector<16xi32>
      %swap3A = arith.constant 2960 : index
      %swap3A_315 = tpu.vector_load %arg11[%swap3A] {strides = array<i32>} : memref<3136xi32, #tpu.memory_space<vmem>>, vector<16xi32>,
      tpu.vector_store %arg11[%swap3A], %broadcast_in_dim3A_314 {strides = array<i32>} : memref<3136xi32, #tpu.memory_space<vmem>>, vector<16xi32>,
      %swap3A_316 = arith.constant 2976 : index
      %swap3A_317 = tpu.vector_load %arg11[%swap3A_316] {strides = array<i32>} : memref<3136xi32, #tpu.memory_space<vmem>>, vector<16xi32>,
      tpu.vector_store %arg11[%swap3A_316], %broadcast_in_dim3A_314 {strides = array<i32>} : memref<3136xi32, #tpu.memory_space<vmem>>, vector<16xi32>,
      %swap3A_318 = arith.constant 2992 : index
      %swap3A_319 = tpu.vector_load %arg11[%swap3A_318] {strides = array<i32>} : memref<3136xi32, #tpu.memory_space<vmem>>, vector<16xi32>,
      tpu.vector_store %arg11[%swap3A_318], %broadcast_in_dim3A_314 {strides = array<i32>} : memref<3136xi32, #tpu.memory_space<vmem>>, vector<16xi32>,
      %swap3A_320 = arith.constant 3008 : index
      %swap3A_321 = tpu.vector_load %arg11[%swap3A_320] {strides = array<i32>} : memref<3136xi32, #tpu.memory_space<vmem>>, vector<16xi32>,
      tpu.vector_store %arg11[%swap3A_320], %broadcast_in_dim3A_314 {strides = array<i32>} : memref<3136xi32, #tpu.memory_space<vmem>>, vector<16xi32>,
      %swap3A_322 = arith.constant 3024 : index
      %swap3A_323 = tpu.vector_load %arg11[%swap3A_322] {strides = array<i32>} : memref<3136xi32, #tpu.memory_space<vmem>>, vector<16xi32>,
      tpu.vector_store %arg11[%swap3A_322], %broadcast_in_dim3A_314 {strides = array<i32>} : memref<3136xi32, #tpu.memory_space<vmem>>, vector<16xi32>,
      %swap3A_324 = arith.constant 3040 : index
      %swap3A_325 = tpu.vector_load %arg11[%swap3A_324] {strides = array<i32>} : memref<3136xi32, #tpu.memory_space<vmem>>, vector<16xi32>,
      tpu.vector_store %arg11[%swap3A_324], %broadcast_in_dim3A_314 {strides = array<i32>} : memref<3136xi32, #tpu.memory_space<vmem>>, vector<16xi32>,
      %swap3A_326 = arith.constant 3056 : index
      %swap3A_327 = tpu.vector_load %arg11[%swap3A_326] {strides = array<i32>} : memref<3136xi32, #tpu.memory_space<vmem>>, vector<16xi32>,
      tpu.vector_store %arg11[%swap3A_326], %broadcast_in_dim3A_314 {strides = array<i32>} : memref<3136xi32, #tpu.memory_space<vmem>>, vector<16xi32>,
      %swap3A_328 = arith.constant 3072 : index
      %swap3A_329 = tpu.vector_load %arg11[%swap3A_328] {strides = array<i32>} : memref<3136xi32, #tpu.memory_space<vmem>>, vector<16xi32>,
      tpu.vector_store %arg11[%swap3A_328], %broadcast_in_dim3A_314 {strides = array<i32>} : memref<3136xi32, #tpu.memory_space<vmem>>, vector<16xi32>,
      %swap3A_330 = arith.constant 3088 : index
      %swap3A_331 = tpu.vector_load %arg11[%swap3A_330] {strides = array<i32>} : memref<3136xi32, #tpu.memory_space<vmem>>, vector<16xi32>,
      tpu.vector_store %arg11[%swap3A_330], %broadcast_in_dim3A_314 {strides = array<i32>} : memref<3136xi32, #tpu.memory_space<vmem>>, vector<16xi32>,
      %swap3A_332 = arith.constant 3104 : index
      %swap3A_333 = tpu.vector_load %arg11[%swap3A_332] {strides = array<i32>} : memref<3136xi32, #tpu.memory_space<vmem>>, vector<16xi32>,
      tpu.vector_store %arg11[%swap3A_332], %broadcast_in_dim3A_314 {strides = array<i32>} : memref<3136xi32, #tpu.memory_space<vmem>>, vector<16xi32>,
      %swap3A_334 = arith.constant 3120 : index
      %swap3A_335 = tpu.vector_load %arg11[%swap3A_334] {strides = array<i32>} : memref<3136xi32, #tpu.memory_space<vmem>>, vector<16xi32>,
      tpu.vector_store %arg11[%swap3A_334], %broadcast_in_dim3A_314 {strides = array<i32>} : memref<3136xi32, #tpu.memory_space<vmem>>, vector<16xi32>,
    } else {
    }
    %dma_wait3A = arith.constant 0 : i32
    %dma_wait3A_17 = tpu.memref_slice %arg8[%dma_wait3A] : memref<20224xf32, #tpu.memory_space<vmem>> -> memref<20000xf32, #tpu.memory_space<vmem>>
    %dma_wait3A_18 = arith.constant 0 : i32
    %dma_wait3A_19 = tpu.memref_slice %arg8[%dma_wait3A_18] : memref<20224xf32, #tpu.memory_space<vmem>> -> memref<20000xf32, #tpu.memory_space<vmem>>
    tpu.wait_dma2 semaphore(%arg14 : memref<!tpu.dma_semaphore, #tpu.memory_space<semaphore_mem>>) src(%arg2 : memref<20000xf32, #tpu.memory_space<hbm>>) dst(%dma_wait3A_19 : memref<20000xf32, #tpu.memory_space<vmem>>)
    %iota3A = tpu.iota {dimensions = array<i32: 0>} : vector<16xi32>
    %scan3A_20 = arith.constant 0 : i32
    %scan3A_21 = arith.constant 0 : i32
    %scan3A_22 = arith.constant 98 : i32
    %scan3A_23 = arith.addi %scan3A_21, %scan3A_22 : i32
    %scan3A_24 = arith.constant 1 : i32
    %scan3A_25 = scf.for %scan3A_311 = %scan3A_21 to %scan3A_23 step %scan3A_24 iter_args(%scan3A_312 = %scan3A_20) -> (i32)  : i32 {
      %mul3A_313 = arith.constant 2 : i32
      %mul3A_314 = arith.muli %scan3A_311, %mul3A_313 : i32
      %add3A_315 = arith.constant 0 : i32
      %add3A_316 = arith.addi %mul3A_314, %add3A_315 : i32
      %mul3A_317 = arith.constant 16 : i32
      %mul3A_318 = arith.muli %add3A_316, %mul3A_317 : i32
      %get3A = arith.index_cast %mul3A_318 : i32 to index
      %get3A_319 = tpu.vector_load %arg10[%get3A] {strides = array<i32>} : memref<3136xi32, #tpu.memory_space<vmem>>, vector<16xi32>,
      %get3A_320 = arith.index_cast %mul3A_318 : i32 to index
      %get3A_321 = tpu.vector_load %arg11[%get3A_320] {strides = array<i32>} : memref<3136xi32, #tpu.memory_space<vmem>>, vector<16xi32>,
      %get3A_322 = arith.index_cast %mul3A_318 : i32 to index
      %get3A_323 = tpu.vector_load %arg12[%get3A_322] {strides = array<i32>} : memref<3136xf32, #tpu.memory_space<vmem>>, vector<16xf32>,
      %gather3A = tpu.vector_load_idx %arg8[%get3A_319] : memref<20224xf32, #tpu.memory_space<vmem>>[vector<16xi32>], vector<16xf32>,
      %gather3A_324 = tpu.vector_load_idx %arg8[%get3A_321] : memref<20224xf32, #tpu.memory_space<vmem>>[vector<16xi32>], vector<16xf32>,
      %sub3A = arith.subf %gather3A, %get3A_323 : vector<16xf32>
      %sub3A_325 = arith.subf %gather3A_324, %get3A_323 : vector<16xf32>
      %convert_element_type3A_326 = arith.fptosi %sub3A : vector<16xf32> to vector<16xi32>
      %convert_element_type3A_327 = arith.sitofp %convert_element_type3A_326 : vector<16xi32> to vector<16xf32>
      %lt3A_328 = arith.cmpf olt, %sub3A, %convert_element_type3A_327 : vector<16xf32>
      %jit3A = arith.constant 1.000000e+00 : f32
      %jit3A_329 = arith.constant 0.000000e+00 : f32
      %broadcast_in_dim3A_330 = vector.broadcast %jit3A : f32 to vector<16xf32>
      %broadcast_in_dim3A_331 = vector.broadcast %jit3A_329 : f32 to vector<16xf32>
      %select_n3A = arith.select %lt3A_328, %broadcast_in_dim3A_330, %broadcast_in_dim3A_331 : vector<16xi1>, vector<16xf32>
      %sub3A_332 = arith.subf %convert_element_type3A_327, %select_n3A : vector<16xf32>
      %convert_element_type3A_333 = arith.fptosi %sub3A_325 : vector<16xf32> to vector<16xi32>
      %convert_element_type3A_334 = arith.sitofp %convert_element_type3A_333 : vector<16xi32> to vector<16xf32>
      %lt3A_335 = arith.cmpf olt, %sub3A_325, %convert_element_type3A_334 : vector<16xf32>
      %jit3A_336 = arith.constant 1.000000e+00 : f32
      %jit3A_337 = arith.constant 0.000000e+00 : f32
      %broadcast_in_dim3A_338 = vector.broadcast %jit3A_336 : f32 to vector<16xf32>
      %broadcast_in_dim3A_339 = vector.broadcast %jit3A_337 : f32 to vector<16xf32>
      %select_n3A_340 = arith.select %lt3A_335, %broadcast_in_dim3A_338, %broadcast_in_dim3A_339 : vector<16xi1>, vector<16xf32>
      %sub3A_341 = arith.subf %convert_element_type3A_334, %select_n3A_340 : vector<16xf32>
      %add3A_342 = arith.constant 2.000000e+00 : f32
      %add3A_343 = vector.broadcast %add3A_342 : f32 to vector<16xf32>
      %add3A_344 = arith.addf %add3A_343, %sub3A : vector<16xf32>
      %add3A_345 = arith.constant 2.000000e+00 : f32
      %add3A_346 = vector.broadcast %add3A_345 : f32 to vector<16xf32>
      %add3A_347 = arith.addf %add3A_346, %sub3A_325 : vector<16xf32>
      %mul3A_348 = arith.mulf %add3A_344, %add3A_347 : vector<16xf32>
      %add3A_349 = arith.constant 1.000000e+00 : f32
      %add3A_350 = vector.broadcast %add3A_349 : f32 to vector<16xf32>
      %add3A_351 = arith.addf %add3A_350, %sub3A_332 : vector<16xf32>
      %add3A_352 = arith.constant 1.000000e+00 : f32
      %add3A_353 = vector.broadcast %add3A_352 : f32 to vector<16xf32>
      %add3A_354 = arith.addf %add3A_353, %sub3A_341 : vector<16xf32>
      %mul3A_355 = arith.mulf %add3A_351, %add3A_354 : vector<16xf32>
      %mul3A_356 = arith.mulf %mul3A_348, %mul3A_355 : vector<16xf32>
      %add3A_357 = arith.addi %mul3A_0, %mul3A_318 : i32
      %add3A_358 = vector.broadcast %add3A_357 : i32 to vector<16xi32>
      %add3A_359 = arith.addi %add3A_358, %iota3A : vector<16xi32>
      %lt3A_360 = arith.constant 50000 : i32
      %lt3A_361 = vector.broadcast %lt3A_360 : i32 to vector<16xi32>
      %lt3A_362 = arith.cmpi slt, %add3A_359, %lt3A_361 : vector<16xi32>
      %jit3A_363 = arith.constant 0.000000e+00 : f32
      %broadcast_in_dim3A_364 = vector.broadcast %jit3A_363 : f32 to vector<16xf32>
      %select_n3A_365 = arith.select %lt3A_362, %mul3A_356, %broadcast_in_dim3A_364 : vector<16xi1>, vector<16xf32>
      %swap3A = arith.index_cast %mul3A_318 : i32 to index
      %swap3A_366 = tpu.vector_load %arg13[%swap3A] {strides = array<i32>} : memref<3136xf32, #tpu.memory_space<vmem>>, vector<16xf32>,
      tpu.vector_store %arg13[%swap3A], %select_n3A_365 {strides = array<i32>} : memref<3136xf32, #tpu.memory_space<vmem>>, vector<16xf32>,
      %masked_sort3A = arith.constant dense<true> : vector<16xi1>
      %masked_sort3A_367, %masked_sort3A_368, %masked_sort3A_369 = tpu.sort %select_n3A_365, %get3A_319 masked %masked_sort3A : (vector<16xf32>, vector<16xi32>, vector<16xi1>) -> (vector<16xi1>, vector<16xf32>, vector<16xi32>)
      %broadcast_in_dim3A_370 = arith.constant true
      %broadcast_in_dim3A_371 = vector.broadcast %broadcast_in_dim3A_370 : i1 to vector<16xi1>
      %unique3A, %unique3A_372 = tpu.scan_count mask(%broadcast_in_dim3A_371 : vector<16xi1>) value(%masked_sort3A_369 : vector<16xi32>) : vector<16xi1>, vector<16xi32>
      %gather3A_373 = tpu.vector_load_idx %arg9[%masked_sort3A_369] : memref<20224xf32, #tpu.memory_space<vmem>>[vector<16xi32>], vector<16xf32>,
      %max3A = arith.maximumf %gather3A_373, %masked_sort3A_368 : vector<16xf32>
      tpu.vector_store_idx %arg9[%masked_sort3A_369], %max3A masked %unique3A : memref<20224xf32, #tpu.memory_space<vmem>>[vector<16xi32>], vector<16xf32>, vector<16xi1>
      %masked_sort3A_374 = arith.constant dense<true> : vector<16xi1>
      %masked_sort3A_375, %masked_sort3A_376, %masked_sort3A_377 = tpu.sort %select_n3A_365, %get3A_321 masked %masked_sort3A_374 : (vector<16xf32>, vector<16xi32>, vector<16xi1>) -> (vector<16xi1>, vector<16xf32>, vector<16xi32>)
      %broadcast_in_dim3A_378 = arith.constant true
      %broadcast_in_dim3A_379 = vector.broadcast %broadcast_in_dim3A_378 : i1 to vector<16xi1>
      %unique3A_380, %unique3A_381 = tpu.scan_count mask(%broadcast_in_dim3A_379 : vector<16xi1>) value(%masked_sort3A_377 : vector<16xi32>) : vector<16xi1>, vector<16xi32>
      %gather3A_382 = tpu.vector_load_idx %arg9[%masked_sort3A_377] : memref<20224xf32, #tpu.memory_space<vmem>>[vector<16xi32>], vector<16xf32>,
      %max3A_383 = arith.maximumf %gather3A_382, %masked_sort3A_376 : vector<16xf32>
      tpu.vector_store_idx %arg9[%masked_sort3A_377], %max3A_383 masked %unique3A_380 : memref<20224xf32, #tpu.memory_space<vmem>>[vector<16xi32>], vector<16xf32>, vector<16xi1>
      %mul3A_384 = arith.constant 2 : i32
      %mul3A_385 = arith.muli %scan3A_311, %mul3A_384 : i32
      %add3A_386 = arith.constant 1 : i32
      %add3A_387 = arith.addi %mul3A_385, %add3A_386 : i32
      %mul3A_388 = arith.constant 16 : i32
      %mul3A_389 = arith.muli %add3A_387, %mul3A_388 : i32
      %get3A_390 = arith.index_cast %mul3A_389 : i32 to index
      %get3A_391 = tpu.vector_load %arg10[%get3A_390] {strides = array<i32>} : memref<3136xi32, #tpu.memory_space<vmem>>, vector<16xi32>,
      %get3A_392 = arith.index_cast %mul3A_389 : i32 to index
      %get3A_393 = tpu.vector_load %arg11[%get3A_392] {strides = array<i32>} : memref<3136xi32, #tpu.memory_space<vmem>>, vector<16xi32>,
      %get3A_394 = arith.index_cast %mul3A_389 : i32 to index
      %get3A_395 = tpu.vector_load %arg12[%get3A_394] {strides = array<i32>} : memref<3136xf32, #tpu.memory_space<vmem>>, vector<16xf32>,
      %gather3A_396 = tpu.vector_load_idx %arg8[%get3A_391] : memref<20224xf32, #tpu.memory_space<vmem>>[vector<16xi32>], vector<16xf32>,
      %gather3A_397 = tpu.vector_load_idx %arg8[%get3A_393] : memref<20224xf32, #tpu.memory_space<vmem>>[vector<16xi32>], vector<16xf32>,
      %sub3A_398 = arith.subf %gather3A_396, %get3A_395 : vector<16xf32>
      %sub3A_399 = arith.subf %gather3A_397, %get3A_395 : vector<16xf32>
      %convert_element_type3A_400 = arith.fptosi %sub3A_398 : vector<16xf32> to vector<16xi32>
      %convert_element_type3A_401 = arith.sitofp %convert_element_type3A_400 : vector<16xi32> to vector<16xf32>
      %lt3A_402 = arith.cmpf olt, %sub3A_398, %convert_element_type3A_401 : vector<16xf32>
      %jit3A_403 = arith.constant 1.000000e+00 : f32
      %jit3A_404 = arith.constant 0.000000e+00 : f32
      %broadcast_in_dim3A_405 = vector.broadcast %jit3A_403 : f32 to vector<16xf32>
      %broadcast_in_dim3A_406 = vector.broadcast %jit3A_404 : f32 to vector<16xf32>
      %select_n3A_407 = arith.select %lt3A_402, %broadcast_in_dim3A_405, %broadcast_in_dim3A_406 : vector<16xi1>, vector<16xf32>
      %sub3A_408 = arith.subf %convert_element_type3A_401, %select_n3A_407 : vector<16xf32>
      %convert_element_type3A_409 = arith.fptosi %sub3A_399 : vector<16xf32> to vector<16xi32>
      %convert_element_type3A_410 = arith.sitofp %convert_element_type3A_409 : vector<16xi32> to vector<16xf32>
      %lt3A_411 = arith.cmpf olt, %sub3A_399, %convert_element_type3A_410 : vector<16xf32>
      %jit3A_412 = arith.constant 1.000000e+00 : f32
      %jit3A_413 = arith.constant 0.000000e+00 : f32
      %broadcast_in_dim3A_414 = vector.broadcast %jit3A_412 : f32 to vector<16xf32>
      %broadcast_in_dim3A_415 = vector.broadcast %jit3A_413 : f32 to vector<16xf32>
      %select_n3A_416 = arith.select %lt3A_411, %broadcast_in_dim3A_414, %broadcast_in_dim3A_415 : vector<16xi1>, vector<16xf32>
      %sub3A_417 = arith.subf %convert_element_type3A_410, %select_n3A_416 : vector<16xf32>
      %add3A_418 = arith.constant 2.000000e+00 : f32
      %add3A_419 = vector.broadcast %add3A_418 : f32 to vector<16xf32>
      %add3A_420 = arith.addf %add3A_419, %sub3A_398 : vector<16xf32>
      %add3A_421 = arith.constant 2.000000e+00 : f32
      %add3A_422 = vector.broadcast %add3A_421 : f32 to vector<16xf32>
      %add3A_423 = arith.addf %add3A_422, %sub3A_399 : vector<16xf32>
      %mul3A_424 = arith.mulf %add3A_420, %add3A_423 : vector<16xf32>
      %add3A_425 = arith.constant 1.000000e+00 : f32
      %add3A_426 = vector.broadcast %add3A_425 : f32 to vector<16xf32>
      %add3A_427 = arith.addf %add3A_426, %sub3A_408 : vector<16xf32>
      %add3A_428 = arith.constant 1.000000e+00 : f32
      %add3A_429 = vector.broadcast %add3A_428 : f32 to vector<16xf32>
      %add3A_430 = arith.addf %add3A_429, %sub3A_417 : vector<16xf32>
      %mul3A_431 = arith.mulf %add3A_427, %add3A_430 : vector<16xf32>
      %mul3A_432 = arith.mulf %mul3A_424, %mul3A_431 : vector<16xf32>
      %add3A_433 = arith.addi %mul3A_0, %mul3A_389 : i32
      %add3A_434 = vector.broadcast %add3A_433 : i32 to vector<16xi32>
      %add3A_435 = arith.addi %add3A_434, %iota3A : vector<16xi32>
      %lt3A_436 = arith.constant 50000 : i32
      %lt3A_437 = vector.broadcast %lt3A_436 : i32 to vector<16xi32>
      %lt3A_438 = arith.cmpi slt, %add3A_435, %lt3A_437 : vector<16xi32>
      %jit3A_439 = arith.constant 0.000000e+00 : f32
      %broadcast_in_dim3A_440 = vector.broadcast %jit3A_439 : f32 to vector<16xf32>
      %select_n3A_441 = arith.select %lt3A_438, %mul3A_432, %broadcast_in_dim3A_440 : vector<16xi1>, vector<16xf32>
      %swap3A_442 = arith.index_cast %mul3A_389 : i32 to index
      %swap3A_443 = tpu.vector_load %arg13[%swap3A_442] {strides = array<i32>} : memref<3136xf32, #tpu.memory_space<vmem>>, vector<16xf32>,
      tpu.vector_store %arg13[%swap3A_442], %select_n3A_441 {strides = array<i32>} : memref<3136xf32, #tpu.memory_space<vmem>>, vector<16xf32>,
      %masked_sort3A_444 = arith.constant dense<true> : vector<16xi1>
      %masked_sort3A_445, %masked_sort3A_446, %masked_sort3A_447 = tpu.sort %select_n3A_441, %get3A_391 masked %masked_sort3A_444 : (vector<16xf32>, vector<16xi32>, vector<16xi1>) -> (vector<16xi1>, vector<16xf32>, vector<16xi32>)
      %broadcast_in_dim3A_448 = arith.constant true
      %broadcast_in_dim3A_449 = vector.broadcast %broadcast_in_dim3A_448 : i1 to vector<16xi1>
      %unique3A_450, %unique3A_451 = tpu.scan_count mask(%broadcast_in_dim3A_449 : vector<16xi1>) value(%masked_sort3A_447 : vector<16xi32>) : vector<16xi1>, vector<16xi32>
      %gather3A_452 = tpu.vector_load_idx %arg9[%masked_sort3A_447] : memref<20224xf32, #tpu.memory_space<vmem>>[vector<16xi32>], vector<16xf32>,
      %max3A_453 = arith.maximumf %gather3A_452, %masked_sort3A_446 : vector<16xf32>
      tpu.vector_store_idx %arg9[%masked_sort3A_447], %max3A_453 masked %unique3A_450 : memref<20224xf32, #tpu.memory_space<vmem>>[vector<16xi32>], vector<16xf32>, vector<16xi1>
      %masked_sort3A_454 = arith.constant dense<true> : vector<16xi1>
      %masked_sort3A_455, %masked_sort3A_456, %masked_sort3A_457 = tpu.sort %select_n3A_441, %get3A_393 masked %masked_sort3A_454 : (vector<16xf32>, vector<16xi32>, vector<16xi1>) -> (vector<16xi1>, vector<16xf32>, vector<16xi32>)
      %broadcast_in_dim3A_458 = arith.constant true
      %broadcast_in_dim3A_459 = vector.broadcast %broadcast_in_dim3A_458 : i1 to vector<16xi1>
      %unique3A_460, %unique3A_461 = tpu.scan_count mask(%broadcast_in_dim3A_459 : vector<16xi1>) value(%masked_sort3A_457 : vector<16xi32>) : vector<16xi1>, vector<16xi32>
      %gather3A_462 = tpu.vector_load_idx %arg9[%masked_sort3A_457] : memref<20224xf32, #tpu.memory_space<vmem>>[vector<16xi32>], vector<16xf32>,
      %max3A_463 = arith.maximumf %gather3A_462, %masked_sort3A_456 : vector<16xf32>
      tpu.vector_store_idx %arg9[%masked_sort3A_457], %max3A_463 masked %unique3A_460 : memref<20224xf32, #tpu.memory_space<vmem>>[vector<16xi32>], vector<16xf32>, vector<16xi1>
      %scan3A_464 = arith.constant 0 : i32
      scf.yield %scan3A_464 : i32
    }
    %scan3A_26 = arith.constant 98 : i32
    %mul3A_27 = arith.constant 20224 : i32
    %mul3A_28 = arith.muli %arg1, %mul3A_27 : i32
    "tpu.region"() ({
      %run_scoped3A = tpu.sem_alloc : memref<!tpu.dma_semaphore, #tpu.memory_space<semaphore_mem>>
      %dma_start3A_311 = tpu.memref_slice %arg6[%mul3A_28] : memref<323584xf32, #tpu.memory_space<hbm>> -> memref<20224xf32, #tpu.memory_space<hbm>>
      %dma_start3A_312 = tpu.memref_slice %arg6[%mul3A_28] : memref<323584xf32, #tpu.memory_space<hbm>> -> memref<20224xf32, #tpu.memory_space<hbm>>
      tpu.enqueue_dma source(%arg9 : memref<20224xf32, #tpu.memory_space<vmem>>) target(%dma_start3A_312 : memref<20224xf32, #tpu.memory_space<hbm>>) target_semaphore(%run_scoped3A : memref<!tpu.dma_semaphore, #tpu.memory_space<semaphore_mem>>)
      %dma_wait3A_313 = tpu.memref_slice %arg6[%mul3A_28] : memref<323584xf32, #tpu.memory_space<hbm>> -> memref<20224xf32, #tpu.memory_space<hbm>>
      %dma_wait3A_314 = tpu.memref_slice %arg6[%mul3A_28] : memref<323584xf32, #tpu.memory_space<hbm>> -> memref<20224xf32, #tpu.memory_space<hbm>>
      tpu.wait_dma2 semaphore(%run_scoped3A : memref<!tpu.dma_semaphore, #tpu.memory_space<semaphore_mem>>) src(%arg9 : memref<20224xf32, #tpu.memory_space<vmem>>) dst(%dma_wait3A_314 : memref<20224xf32, #tpu.memory_space<hbm>>)
      tpu.yield
    }) : () -> ()
    %barrier3A = arith.constant 0 : index
    tpu.barrier barrier_id(%barrier3A)
    %mul3A_29 = arith.constant 1264 : i32
    %mul3A_30 = arith.muli %arg1, %mul3A_29 : i32
    %add3A = arith.constant 0 : i32
    %add3A_31 = arith.addi %add3A, %mul3A_30 : i32
    %dma_start3A_32 = arith.constant 0 : i32
    %dma_start3A_33 = tpu.memref_slice %arg8[%dma_start3A_32] : memref<20224xf32, #tpu.memory_space<vmem>> -> memref<1264xf32, #tpu.memory_space<vmem>>
    %dma_start3A_34 = tpu.memref_slice %arg6[%add3A_31] : memref<323584xf32, #tpu.memory_space<hbm>> -> memref<1264xf32, #tpu.memory_space<hbm>>
    %dma_start3A_35 = arith.constant 0 : i32
    %dma_start3A_36 = tpu.memref_slice %arg8[%dma_start3A_35] : memref<20224xf32, #tpu.memory_space<vmem>> -> memref<1264xf32, #tpu.memory_space<vmem>>
    %dma_start3A_37 = tpu.memref_slice %arg6[%add3A_31] : memref<323584xf32, #tpu.memory_space<hbm>> -> memref<1264xf32, #tpu.memory_space<hbm>>
    tpu.enqueue_dma source(%dma_start3A_37 : memref<1264xf32, #tpu.memory_space<hbm>>) target(%dma_start3A_36 : memref<1264xf32, #tpu.memory_space<vmem>>) target_semaphore(%arg14 : memref<!tpu.dma_semaphore, #tpu.memory_space<semaphore_mem>>)
    %mul3A_38 = arith.constant 1264 : i32
    %mul3A_39 = arith.muli %arg1, %mul3A_38 : i32
    %add3A_40 = arith.constant 20224 : i32
    %add3A_41 = arith.addi %add3A_40, %mul3A_39 : i32
    %dma_start3A_42 = arith.constant 1264 : i32
    %dma_start3A_43 = tpu.memref_slice %arg8[%dma_start3A_42] : memref<20224xf32, #tpu.memory_space<vmem>> -> memref<1264xf32, #tpu.memory_space<vmem>>
    %dma_start3A_44 = tpu.memref_slice %arg6[%add3A_41] : memref<323584xf32, #tpu.memory_space<hbm>> -> memref<1264xf32, #tpu.memory_space<hbm>>
    %dma_start3A_45 = arith.constant 1264 : i32
    %dma_start3A_46 = tpu.memref_slice %arg8[%dma_start3A_45] : memref<20224xf32, #tpu.memory_space<vmem>> -> memref<1264xf32, #tpu.memory_space<vmem>>
    %dma_start3A_47 = tpu.memref_slice %arg6[%add3A_41] : memref<323584xf32, #tpu.memory_space<hbm>> -> memref<1264xf32, #tpu.memory_space<hbm>>
    tpu.enqueue_dma source(%dma_start3A_47 : memref<1264xf32, #tpu.memory_space<hbm>>) target(%dma_start3A_46 : memref<1264xf32, #tpu.memory_space<vmem>>) target_semaphore(%arg14 : memref<!tpu.dma_semaphore, #tpu.memory_space<semaphore_mem>>)
    %mul3A_48 = arith.constant 1264 : i32
    %mul3A_49 = arith.muli %arg1, %mul3A_48 : i32
    %add3A_50 = arith.constant 40448 : i32
    %add3A_51 = arith.addi %add3A_50, %mul3A_49 : i32
    %dma_start3A_52 = arith.constant 2528 : i32
    %dma_start3A_53 = tpu.memref_slice %arg8[%dma_start3A_52] : memref<20224xf32, #tpu.memory_space<vmem>> -> memref<1264xf32, #tpu.memory_space<vmem>>
    %dma_start3A_54 = tpu.memref_slice %arg6[%add3A_51] : memref<323584xf32, #tpu.memory_space<hbm>> -> memref<1264xf32, #tpu.memory_space<hbm>>
    %dma_start3A_55 = arith.constant 2528 : i32
    %dma_start3A_56 = tpu.memref_slice %arg8[%dma_start3A_55] : memref<20224xf32, #tpu.memory_space<vmem>> -> memref<1264xf32, #tpu.memory_space<vmem>>
    %dma_start3A_57 = tpu.memref_slice %arg6[%add3A_51] : memref<323584xf32, #tpu.memory_space<hbm>> -> memref<1264xf32, #tpu.memory_space<hbm>>
    tpu.enqueue_dma source(%dma_start3A_57 : memref<1264xf32, #tpu.memory_space<hbm>>) target(%dma_start3A_56 : memref<1264xf32, #tpu.memory_space<vmem>>) target_semaphore(%arg14 : memref<!tpu.dma_semaphore, #tpu.memory_space<semaphore_mem>>)
    %mul3A_58 = arith.constant 1264 : i32
    %mul3A_59 = arith.muli %arg1, %mul3A_58 : i32
    %add3A_60 = arith.constant 60672 : i32
    %add3A_61 = arith.addi %add3A_60, %mul3A_59 : i32
    %dma_start3A_62 = arith.constant 3792 : i32
    %dma_start3A_63 = tpu.memref_slice %arg8[%dma_start3A_62] : memref<20224xf32, #tpu.memory_space<vmem>> -> memref<1264xf32, #tpu.memory_space<vmem>>
    %dma_start3A_64 = tpu.memref_slice %arg6[%add3A_61] : memref<323584xf32, #tpu.memory_space<hbm>> -> memref<1264xf32, #tpu.memory_space<hbm>>
    %dma_start3A_65 = arith.constant 3792 : i32
    %dma_start3A_66 = tpu.memref_slice %arg8[%dma_start3A_65] : memref<20224xf32, #tpu.memory_space<vmem>> -> memref<1264xf32, #tpu.memory_space<vmem>>
    %dma_start3A_67 = tpu.memref_slice %arg6[%add3A_61] : memref<323584xf32, #tpu.memory_space<hbm>> -> memref<1264xf32, #tpu.memory_space<hbm>>
    tpu.enqueue_dma source(%dma_start3A_67 : memref<1264xf32, #tpu.memory_space<hbm>>) target(%dma_start3A_66 : memref<1264xf32, #tpu.memory_space<vmem>>) target_semaphore(%arg14 : memref<!tpu.dma_semaphore, #tpu.memory_space<semaphore_mem>>)
    %mul3A_68 = arith.constant 1264 : i32
    %mul3A_69 = arith.muli %arg1, %mul3A_68 : i32
    %add3A_70 = arith.constant 80896 : i32
    %add3A_71 = arith.addi %add3A_70, %mul3A_69 : i32
    %dma_start3A_72 = arith.constant 5056 : i32
    %dma_start3A_73 = tpu.memref_slice %arg8[%dma_start3A_72] : memref<20224xf32, #tpu.memory_space<vmem>> -> memref<1264xf32, #tpu.memory_space<vmem>>
    %dma_start3A_74 = tpu.memref_slice %arg6[%add3A_71] : memref<323584xf32, #tpu.memory_space<hbm>> -> memref<1264xf32, #tpu.memory_space<hbm>>
    %dma_start3A_75 = arith.constant 5056 : i32
    %dma_start3A_76 = tpu.memref_slice %arg8[%dma_start3A_75] : memref<20224xf32, #tpu.memory_space<vmem>> -> memref<1264xf32, #tpu.memory_space<vmem>>
    %dma_start3A_77 = tpu.memref_slice %arg6[%add3A_71] : memref<323584xf32, #tpu.memory_space<hbm>> -> memref<1264xf32, #tpu.memory_space<hbm>>
    tpu.enqueue_dma source(%dma_start3A_77 : memref<1264xf32, #tpu.memory_space<hbm>>) target(%dma_start3A_76 : memref<1264xf32, #tpu.memory_space<vmem>>) target_semaphore(%arg14 : memref<!tpu.dma_semaphore, #tpu.memory_space<semaphore_mem>>)
    %mul3A_78 = arith.constant 1264 : i32
    %mul3A_79 = arith.muli %arg1, %mul3A_78 : i32
    %add3A_80 = arith.constant 101120 : i32
    %add3A_81 = arith.addi %add3A_80, %mul3A_79 : i32
    %dma_start3A_82 = arith.constant 6320 : i32
    %dma_start3A_83 = tpu.memref_slice %arg8[%dma_start3A_82] : memref<20224xf32, #tpu.memory_space<vmem>> -> memref<1264xf32, #tpu.memory_space<vmem>>
    %dma_start3A_84 = tpu.memref_slice %arg6[%add3A_81] : memref<323584xf32, #tpu.memory_space<hbm>> -> memref<1264xf32, #tpu.memory_space<hbm>>
    %dma_start3A_85 = arith.constant 6320 : i32
    %dma_start3A_86 = tpu.memref_slice %arg8[%dma_start3A_85] : memref<20224xf32, #tpu.memory_space<vmem>> -> memref<1264xf32, #tpu.memory_space<vmem>>
    %dma_start3A_87 = tpu.memref_slice %arg6[%add3A_81] : memref<323584xf32, #tpu.memory_space<hbm>> -> memref<1264xf32, #tpu.memory_space<hbm>>
    tpu.enqueue_dma source(%dma_start3A_87 : memref<1264xf32, #tpu.memory_space<hbm>>) target(%dma_start3A_86 : memref<1264xf32, #tpu.memory_space<vmem>>) target_semaphore(%arg14 : memref<!tpu.dma_semaphore, #tpu.memory_space<semaphore_mem>>)
    %mul3A_88 = arith.constant 1264 : i32
    %mul3A_89 = arith.muli %arg1, %mul3A_88 : i32
    %add3A_90 = arith.constant 121344 : i32
    %add3A_91 = arith.addi %add3A_90, %mul3A_89 : i32
    %dma_start3A_92 = arith.constant 7584 : i32
    %dma_start3A_93 = tpu.memref_slice %arg8[%dma_start3A_92] : memref<20224xf32, #tpu.memory_space<vmem>> -> memref<1264xf32, #tpu.memory_space<vmem>>
    %dma_start3A_94 = tpu.memref_slice %arg6[%add3A_91] : memref<323584xf32, #tpu.memory_space<hbm>> -> memref<1264xf32, #tpu.memory_space<hbm>>
    %dma_start3A_95 = arith.constant 7584 : i32
    %dma_start3A_96 = tpu.memref_slice %arg8[%dma_start3A_95] : memref<20224xf32, #tpu.memory_space<vmem>> -> memref<1264xf32, #tpu.memory_space<vmem>>
    %dma_start3A_97 = tpu.memref_slice %arg6[%add3A_91] : memref<323584xf32, #tpu.memory_space<hbm>> -> memref<1264xf32, #tpu.memory_space<hbm>>
    tpu.enqueue_dma source(%dma_start3A_97 : memref<1264xf32, #tpu.memory_space<hbm>>) target(%dma_start3A_96 : memref<1264xf32, #tpu.memory_space<vmem>>) target_semaphore(%arg14 : memref<!tpu.dma_semaphore, #tpu.memory_space<semaphore_mem>>)
    %mul3A_98 = arith.constant 1264 : i32
    %mul3A_99 = arith.muli %arg1, %mul3A_98 : i32
    %add3A_100 = arith.constant 141568 : i32
    %add3A_101 = arith.addi %add3A_100, %mul3A_99 : i32
    %dma_start3A_102 = arith.constant 8848 : i32
    %dma_start3A_103 = tpu.memref_slice %arg8[%dma_start3A_102] : memref<20224xf32, #tpu.memory_space<vmem>> -> memref<1264xf32, #tpu.memory_space<vmem>>
    %dma_start3A_104 = tpu.memref_slice %arg6[%add3A_101] : memref<323584xf32, #tpu.memory_space<hbm>> -> memref<1264xf32, #tpu.memory_space<hbm>>
    %dma_start3A_105 = arith.constant 8848 : i32
    %dma_start3A_106 = tpu.memref_slice %arg8[%dma_start3A_105] : memref<20224xf32, #tpu.memory_space<vmem>> -> memref<1264xf32, #tpu.memory_space<vmem>>
    %dma_start3A_107 = tpu.memref_slice %arg6[%add3A_101] : memref<323584xf32, #tpu.memory_space<hbm>> -> memref<1264xf32, #tpu.memory_space<hbm>>
    tpu.enqueue_dma source(%dma_start3A_107 : memref<1264xf32, #tpu.memory_space<hbm>>) target(%dma_start3A_106 : memref<1264xf32, #tpu.memory_space<vmem>>) target_semaphore(%arg14 : memref<!tpu.dma_semaphore, #tpu.memory_space<semaphore_mem>>)
    %mul3A_108 = arith.constant 1264 : i32
    %mul3A_109 = arith.muli %arg1, %mul3A_108 : i32
    %add3A_110 = arith.constant 161792 : i32
    %add3A_111 = arith.addi %add3A_110, %mul3A_109 : i32
    %dma_start3A_112 = arith.constant 10112 : i32
    %dma_start3A_113 = tpu.memref_slice %arg8[%dma_start3A_112] : memref<20224xf32, #tpu.memory_space<vmem>> -> memref<1264xf32, #tpu.memory_space<vmem>>
    %dma_start3A_114 = tpu.memref_slice %arg6[%add3A_111] : memref<323584xf32, #tpu.memory_space<hbm>> -> memref<1264xf32, #tpu.memory_space<hbm>>
    %dma_start3A_115 = arith.constant 10112 : i32
    %dma_start3A_116 = tpu.memref_slice %arg8[%dma_start3A_115] : memref<20224xf32, #tpu.memory_space<vmem>> -> memref<1264xf32, #tpu.memory_space<vmem>>
    %dma_start3A_117 = tpu.memref_slice %arg6[%add3A_111] : memref<323584xf32, #tpu.memory_space<hbm>> -> memref<1264xf32, #tpu.memory_space<hbm>>
    tpu.enqueue_dma source(%dma_start3A_117 : memref<1264xf32, #tpu.memory_space<hbm>>) target(%dma_start3A_116 : memref<1264xf32, #tpu.memory_space<vmem>>) target_semaphore(%arg14 : memref<!tpu.dma_semaphore, #tpu.memory_space<semaphore_mem>>)
    %mul3A_118 = arith.constant 1264 : i32
    %mul3A_119 = arith.muli %arg1, %mul3A_118 : i32
    %add3A_120 = arith.constant 182016 : i32
    %add3A_121 = arith.addi %add3A_120, %mul3A_119 : i32
    %dma_start3A_122 = arith.constant 11376 : i32
    %dma_start3A_123 = tpu.memref_slice %arg8[%dma_start3A_122] : memref<20224xf32, #tpu.memory_space<vmem>> -> memref<1264xf32, #tpu.memory_space<vmem>>
    %dma_start3A_124 = tpu.memref_slice %arg6[%add3A_121] : memref<323584xf32, #tpu.memory_space<hbm>> -> memref<1264xf32, #tpu.memory_space<hbm>>
    %dma_start3A_125 = arith.constant 11376 : i32
    %dma_start3A_126 = tpu.memref_slice %arg8[%dma_start3A_125] : memref<20224xf32, #tpu.memory_space<vmem>> -> memref<1264xf32, #tpu.memory_space<vmem>>
    %dma_start3A_127 = tpu.memref_slice %arg6[%add3A_121] : memref<323584xf32, #tpu.memory_space<hbm>> -> memref<1264xf32, #tpu.memory_space<hbm>>
    tpu.enqueue_dma source(%dma_start3A_127 : memref<1264xf32, #tpu.memory_space<hbm>>) target(%dma_start3A_126 : memref<1264xf32, #tpu.memory_space<vmem>>) target_semaphore(%arg14 : memref<!tpu.dma_semaphore, #tpu.memory_space<semaphore_mem>>)
    %mul3A_128 = arith.constant 1264 : i32
    %mul3A_129 = arith.muli %arg1, %mul3A_128 : i32
    %add3A_130 = arith.constant 202240 : i32
    %add3A_131 = arith.addi %add3A_130, %mul3A_129 : i32
    %dma_start3A_132 = arith.constant 12640 : i32
    %dma_start3A_133 = tpu.memref_slice %arg8[%dma_start3A_132] : memref<20224xf32, #tpu.memory_space<vmem>> -> memref<1264xf32, #tpu.memory_space<vmem>>
    %dma_start3A_134 = tpu.memref_slice %arg6[%add3A_131] : memref<323584xf32, #tpu.memory_space<hbm>> -> memref<1264xf32, #tpu.memory_space<hbm>>
    %dma_start3A_135 = arith.constant 12640 : i32
    %dma_start3A_136 = tpu.memref_slice %arg8[%dma_start3A_135] : memref<20224xf32, #tpu.memory_space<vmem>> -> memref<1264xf32, #tpu.memory_space<vmem>>
    %dma_start3A_137 = tpu.memref_slice %arg6[%add3A_131] : memref<323584xf32, #tpu.memory_space<hbm>> -> memref<1264xf32, #tpu.memory_space<hbm>>
    tpu.enqueue_dma source(%dma_start3A_137 : memref<1264xf32, #tpu.memory_space<hbm>>) target(%dma_start3A_136 : memref<1264xf32, #tpu.memory_space<vmem>>) target_semaphore(%arg14 : memref<!tpu.dma_semaphore, #tpu.memory_space<semaphore_mem>>)
    %mul3A_138 = arith.constant 1264 : i32
    %mul3A_139 = arith.muli %arg1, %mul3A_138 : i32
    %add3A_140 = arith.constant 222464 : i32
    %add3A_141 = arith.addi %add3A_140, %mul3A_139 : i32
    %dma_start3A_142 = arith.constant 13904 : i32
    %dma_start3A_143 = tpu.memref_slice %arg8[%dma_start3A_142] : memref<20224xf32, #tpu.memory_space<vmem>> -> memref<1264xf32, #tpu.memory_space<vmem>>
    %dma_start3A_144 = tpu.memref_slice %arg6[%add3A_141] : memref<323584xf32, #tpu.memory_space<hbm>> -> memref<1264xf32, #tpu.memory_space<hbm>>
    %dma_start3A_145 = arith.constant 13904 : i32
    %dma_start3A_146 = tpu.memref_slice %arg8[%dma_start3A_145] : memref<20224xf32, #tpu.memory_space<vmem>> -> memref<1264xf32, #tpu.memory_space<vmem>>
    %dma_start3A_147 = tpu.memref_slice %arg6[%add3A_141] : memref<323584xf32, #tpu.memory_space<hbm>> -> memref<1264xf32, #tpu.memory_space<hbm>>
    tpu.enqueue_dma source(%dma_start3A_147 : memref<1264xf32, #tpu.memory_space<hbm>>) target(%dma_start3A_146 : memref<1264xf32, #tpu.memory_space<vmem>>) target_semaphore(%arg14 : memref<!tpu.dma_semaphore, #tpu.memory_space<semaphore_mem>>)
    %mul3A_148 = arith.constant 1264 : i32
    %mul3A_149 = arith.muli %arg1, %mul3A_148 : i32
    %add3A_150 = arith.constant 242688 : i32
    %add3A_151 = arith.addi %add3A_150, %mul3A_149 : i32
    %dma_start3A_152 = arith.constant 15168 : i32
    %dma_start3A_153 = tpu.memref_slice %arg8[%dma_start3A_152] : memref<20224xf32, #tpu.memory_space<vmem>> -> memref<1264xf32, #tpu.memory_space<vmem>>
    %dma_start3A_154 = tpu.memref_slice %arg6[%add3A_151] : memref<323584xf32, #tpu.memory_space<hbm>> -> memref<1264xf32, #tpu.memory_space<hbm>>
    %dma_start3A_155 = arith.constant 15168 : i32
    %dma_start3A_156 = tpu.memref_slice %arg8[%dma_start3A_155] : memref<20224xf32, #tpu.memory_space<vmem>> -> memref<1264xf32, #tpu.memory_space<vmem>>
    %dma_start3A_157 = tpu.memref_slice %arg6[%add3A_151] : memref<323584xf32, #tpu.memory_space<hbm>> -> memref<1264xf32, #tpu.memory_space<hbm>>
    tpu.enqueue_dma source(%dma_start3A_157 : memref<1264xf32, #tpu.memory_space<hbm>>) target(%dma_start3A_156 : memref<1264xf32, #tpu.memory_space<vmem>>) target_semaphore(%arg14 : memref<!tpu.dma_semaphore, #tpu.memory_space<semaphore_mem>>)
    %mul3A_158 = arith.constant 1264 : i32
    %mul3A_159 = arith.muli %arg1, %mul3A_158 : i32
    %add3A_160 = arith.constant 262912 : i32
    %add3A_161 = arith.addi %add3A_160, %mul3A_159 : i32
    %dma_start3A_162 = arith.constant 16432 : i32
    %dma_start3A_163 = tpu.memref_slice %arg8[%dma_start3A_162] : memref<20224xf32, #tpu.memory_space<vmem>> -> memref<1264xf32, #tpu.memory_space<vmem>>
    %dma_start3A_164 = tpu.memref_slice %arg6[%add3A_161] : memref<323584xf32, #tpu.memory_space<hbm>> -> memref<1264xf32, #tpu.memory_space<hbm>>
    %dma_start3A_165 = arith.constant 16432 : i32
    %dma_start3A_166 = tpu.memref_slice %arg8[%dma_start3A_165] : memref<20224xf32, #tpu.memory_space<vmem>> -> memref<1264xf32, #tpu.memory_space<vmem>>
    %dma_start3A_167 = tpu.memref_slice %arg6[%add3A_161] : memref<323584xf32, #tpu.memory_space<hbm>> -> memref<1264xf32, #tpu.memory_space<hbm>>
    tpu.enqueue_dma source(%dma_start3A_167 : memref<1264xf32, #tpu.memory_space<hbm>>) target(%dma_start3A_166 : memref<1264xf32, #tpu.memory_space<vmem>>) target_semaphore(%arg14 : memref<!tpu.dma_semaphore, #tpu.memory_space<semaphore_mem>>)
    %mul3A_168 = arith.constant 1264 : i32
    %mul3A_169 = arith.muli %arg1, %mul3A_168 : i32
    %add3A_170 = arith.constant 283136 : i32
    %add3A_171 = arith.addi %add3A_170, %mul3A_169 : i32
    %dma_start3A_172 = arith.constant 17696 : i32
    %dma_start3A_173 = tpu.memref_slice %arg8[%dma_start3A_172] : memref<20224xf32, #tpu.memory_space<vmem>> -> memref<1264xf32, #tpu.memory_space<vmem>>
    %dma_start3A_174 = tpu.memref_slice %arg6[%add3A_171] : memref<323584xf32, #tpu.memory_space<hbm>> -> memref<1264xf32, #tpu.memory_space<hbm>>
    %dma_start3A_175 = arith.constant 17696 : i32
    %dma_start3A_176 = tpu.memref_slice %arg8[%dma_start3A_175] : memref<20224xf32, #tpu.memory_space<vmem>> -> memref<1264xf32, #tpu.memory_space<vmem>>
    %dma_start3A_177 = tpu.memref_slice %arg6[%add3A_171] : memref<323584xf32, #tpu.memory_space<hbm>> -> memref<1264xf32, #tpu.memory_space<hbm>>
    tpu.enqueue_dma source(%dma_start3A_177 : memref<1264xf32, #tpu.memory_space<hbm>>) target(%dma_start3A_176 : memref<1264xf32, #tpu.memory_space<vmem>>) target_semaphore(%arg14 : memref<!tpu.dma_semaphore, #tpu.memory_space<semaphore_mem>>)
    %mul3A_178 = arith.constant 1264 : i32
    %mul3A_179 = arith.muli %arg1, %mul3A_178 : i32
    %add3A_180 = arith.constant 303360 : i32
    %add3A_181 = arith.addi %add3A_180, %mul3A_179 : i32
    %dma_start3A_182 = arith.constant 18960 : i32
    %dma_start3A_183 = tpu.memref_slice %arg8[%dma_start3A_182] : memref<20224xf32, #tpu.memory_space<vmem>> -> memref<1264xf32, #tpu.memory_space<vmem>>
    %dma_start3A_184 = tpu.memref_slice %arg6[%add3A_181] : memref<323584xf32, #tpu.memory_space<hbm>> -> memref<1264xf32, #tpu.memory_space<hbm>>
    %dma_start3A_185 = arith.constant 18960 : i32
    %dma_start3A_186 = tpu.memref_slice %arg8[%dma_start3A_185] : memref<20224xf32, #tpu.memory_space<vmem>> -> memref<1264xf32, #tpu.memory_space<vmem>>
    %dma_start3A_187 = tpu.memref_slice %arg6[%add3A_181] : memref<323584xf32, #tpu.memory_space<hbm>> -> memref<1264xf32, #tpu.memory_space<hbm>>
    tpu.enqueue_dma source(%dma_start3A_187 : memref<1264xf32, #tpu.memory_space<hbm>>) target(%dma_start3A_186 : memref<1264xf32, #tpu.memory_space<vmem>>) target_semaphore(%arg14 : memref<!tpu.dma_semaphore, #tpu.memory_space<semaphore_mem>>)
    %dma_wait3A_188 = arith.constant 18960 : i32
    %dma_wait3A_189 = tpu.memref_slice %arg8[%dma_wait3A_188] : memref<20224xf32, #tpu.memory_space<vmem>> -> memref<1264xf32, #tpu.memory_space<vmem>>
    %dma_wait3A_190 = tpu.memref_slice %arg6[%add3A_181] : memref<323584xf32, #tpu.memory_space<hbm>> -> memref<1264xf32, #tpu.memory_space<hbm>>
    %dma_wait3A_191 = arith.constant 18960 : i32
    %dma_wait3A_192 = tpu.memref_slice %arg8[%dma_wait3A_191] : memref<20224xf32, #tpu.memory_space<vmem>> -> memref<1264xf32, #tpu.memory_space<vmem>>
    %dma_wait3A_193 = tpu.memref_slice %arg6[%add3A_181] : memref<323584xf32, #tpu.memory_space<hbm>> -> memref<1264xf32, #tpu.memory_space<hbm>>
    tpu.wait_dma2 semaphore(%arg14 : memref<!tpu.dma_semaphore, #tpu.memory_space<semaphore_mem>>) src(%dma_wait3A_193 : memref<1264xf32, #tpu.memory_space<hbm>>) dst(%dma_wait3A_192 : memref<1264xf32, #tpu.memory_space<vmem>>)
    %dma_wait3A_194 = arith.constant 18960 : i32
    %dma_wait3A_195 = tpu.memref_slice %arg8[%dma_wait3A_194] : memref<20224xf32, #tpu.memory_space<vmem>> -> memref<1264xf32, #tpu.memory_space<vmem>>
    %dma_wait3A_196 = tpu.memref_slice %arg6[%add3A_181] : memref<323584xf32, #tpu.memory_space<hbm>> -> memref<1264xf32, #tpu.memory_space<hbm>>
    %dma_wait3A_197 = arith.constant 18960 : i32
    %dma_wait3A_198 = tpu.memref_slice %arg8[%dma_wait3A_197] : memref<20224xf32, #tpu.memory_space<vmem>> -> memref<1264xf32, #tpu.memory_space<vmem>>
    %dma_wait3A_199 = tpu.memref_slice %arg6[%add3A_181] : memref<323584xf32, #tpu.memory_space<hbm>> -> memref<1264xf32, #tpu.memory_space<hbm>>
    tpu.wait_dma2 semaphore(%arg14 : memref<!tpu.dma_semaphore, #tpu.memory_space<semaphore_mem>>) src(%dma_wait3A_199 : memref<1264xf32, #tpu.memory_space<hbm>>) dst(%dma_wait3A_198 : memref<1264xf32, #tpu.memory_space<vmem>>)
    %dma_wait3A_200 = arith.constant 18960 : i32
    %dma_wait3A_201 = tpu.memref_slice %arg8[%dma_wait3A_200] : memref<20224xf32, #tpu.memory_space<vmem>> -> memref<1264xf32, #tpu.memory_space<vmem>>
    %dma_wait3A_202 = tpu.memref_slice %arg6[%add3A_181] : memref<323584xf32, #tpu.memory_space<hbm>> -> memref<1264xf32, #tpu.memory_space<hbm>>
    %dma_wait3A_203 = arith.constant 18960 : i32
    %dma_wait3A_204 = tpu.memref_slice %arg8[%dma_wait3A_203] : memref<20224xf32, #tpu.memory_space<vmem>> -> memref<1264xf32, #tpu.memory_space<vmem>>
    %dma_wait3A_205 = tpu.memref_slice %arg6[%add3A_181] : memref<323584xf32, #tpu.memory_space<hbm>> -> memref<1264xf32, #tpu.memory_space<hbm>>
    tpu.wait_dma2 semaphore(%arg14 : memref<!tpu.dma_semaphore, #tpu.memory_space<semaphore_mem>>) src(%dma_wait3A_205 : memref<1264xf32, #tpu.memory_space<hbm>>) dst(%dma_wait3A_204 : memref<1264xf32, #tpu.memory_space<vmem>>)
    %dma_wait3A_206 = arith.constant 18960 : i32
    %dma_wait3A_207 = tpu.memref_slice %arg8[%dma_wait3A_206] : memref<20224xf32, #tpu.memory_space<vmem>> -> memref<1264xf32, #tpu.memory_space<vmem>>
    %dma_wait3A_208 = tpu.memref_slice %arg6[%add3A_181] : memref<323584xf32, #tpu.memory_space<hbm>> -> memref<1264xf32, #tpu.memory_space<hbm>>
    %dma_wait3A_209 = arith.constant 18960 : i32
    %dma_wait3A_210 = tpu.memref_slice %arg8[%dma_wait3A_209] : memref<20224xf32, #tpu.memory_space<vmem>> -> memref<1264xf32, #tpu.memory_space<vmem>>
    %dma_wait3A_211 = tpu.memref_slice %arg6[%add3A_181] : memref<323584xf32, #tpu.memory_space<hbm>> -> memref<1264xf32, #tpu.memory_space<hbm>>
    tpu.wait_dma2 semaphore(%arg14 : memref<!tpu.dma_semaphore, #tpu.memory_space<semaphore_mem>>) src(%dma_wait3A_211 : memref<1264xf32, #tpu.memory_space<hbm>>) dst(%dma_wait3A_210 : memref<1264xf32, #tpu.memory_space<vmem>>)
    %dma_wait3A_212 = arith.constant 18960 : i32
    %dma_wait3A_213 = tpu.memref_slice %arg8[%dma_wait3A_212] : memref<20224xf32, #tpu.memory_space<vmem>> -> memref<1264xf32, #tpu.memory_space<vmem>>
    %dma_wait3A_214 = tpu.memref_slice %arg6[%add3A_181] : memref<323584xf32, #tpu.memory_space<hbm>> -> memref<1264xf32, #tpu.memory_space<hbm>>
    %dma_wait3A_215 = arith.constant 18960 : i32
    %dma_wait3A_216 = tpu.memref_slice %arg8[%dma_wait3A_215] : memref<20224xf32, #tpu.memory_space<vmem>> -> memref<1264xf32, #tpu.memory_space<vmem>>
    %dma_wait3A_217 = tpu.memref_slice %arg6[%add3A_181] : memref<323584xf32, #tpu.memory_space<hbm>> -> memref<1264xf32, #tpu.memory_space<hbm>>
    tpu.wait_dma2 semaphore(%arg14 : memref<!tpu.dma_semaphore, #tpu.memory_space<semaphore_mem>>) src(%dma_wait3A_217 : memref<1264xf32, #tpu.memory_space<hbm>>) dst(%dma_wait3A_216 : memref<1264xf32, #tpu.memory_space<vmem>>)
    %dma_wait3A_218 = arith.constant 18960 : i32
    %dma_wait3A_219 = tpu.memref_slice %arg8[%dma_wait3A_218] : memref<20224xf32, #tpu.memory_space<vmem>> -> memref<1264xf32, #tpu.memory_space<vmem>>
    %dma_wait3A_220 = tpu.memref_slice %arg6[%add3A_181] : memref<323584xf32, #tpu.memory_space<hbm>> -> memref<1264xf32, #tpu.memory_space<hbm>>
    %dma_wait3A_221 = arith.constant 18960 : i32
    %dma_wait3A_222 = tpu.memref_slice %arg8[%dma_wait3A_221] : memref<20224xf32, #tpu.memory_space<vmem>> -> memref<1264xf32, #tpu.memory_space<vmem>>
    %dma_wait3A_223 = tpu.memref_slice %arg6[%add3A_181] : memref<323584xf32, #tpu.memory_space<hbm>> -> memref<1264xf32, #tpu.memory_space<hbm>>
    tpu.wait_dma2 semaphore(%arg14 : memref<!tpu.dma_semaphore, #tpu.memory_space<semaphore_mem>>) src(%dma_wait3A_223 : memref<1264xf32, #tpu.memory_space<hbm>>) dst(%dma_wait3A_222 : memref<1264xf32, #tpu.memory_space<vmem>>)
    %dma_wait3A_224 = arith.constant 18960 : i32
    %dma_wait3A_225 = tpu.memref_slice %arg8[%dma_wait3A_224] : memref<20224xf32, #tpu.memory_space<vmem>> -> memref<1264xf32, #tpu.memory_space<vmem>>
    %dma_wait3A_226 = tpu.memref_slice %arg6[%add3A_181] : memref<323584xf32, #tpu.memory_space<hbm>> -> memref<1264xf32, #tpu.memory_space<hbm>>
    %dma_wait3A_227 = arith.constant 18960 : i32
    %dma_wait3A_228 = tpu.memref_slice %arg8[%dma_wait3A_227] : memref<20224xf32, #tpu.memory_space<vmem>> -> memref<1264xf32, #tpu.memory_space<vmem>>
    %dma_wait3A_229 = tpu.memref_slice %arg6[%add3A_181] : memref<323584xf32, #tpu.memory_space<hbm>> -> memref<1264xf32, #tpu.memory_space<hbm>>
    tpu.wait_dma2 semaphore(%arg14 : memref<!tpu.dma_semaphore, #tpu.memory_space<semaphore_mem>>) src(%dma_wait3A_229 : memref<1264xf32, #tpu.memory_space<hbm>>) dst(%dma_wait3A_228 : memref<1264xf32, #tpu.memory_space<vmem>>)
    %dma_wait3A_230 = arith.constant 18960 : i32
    %dma_wait3A_231 = tpu.memref_slice %arg8[%dma_wait3A_230] : memref<20224xf32, #tpu.memory_space<vmem>> -> memref<1264xf32, #tpu.memory_space<vmem>>
    %dma_wait3A_232 = tpu.memref_slice %arg6[%add3A_181] : memref<323584xf32, #tpu.memory_space<hbm>> -> memref<1264xf32, #tpu.memory_space<hbm>>
    %dma_wait3A_233 = arith.constant 18960 : i32
    %dma_wait3A_234 = tpu.memref_slice %arg8[%dma_wait3A_233] : memref<20224xf32, #tpu.memory_space<vmem>> -> memref<1264xf32, #tpu.memory_space<vmem>>
    %dma_wait3A_235 = tpu.memref_slice %arg6[%add3A_181] : memref<323584xf32, #tpu.memory_space<hbm>> -> memref<1264xf32, #tpu.memory_space<hbm>>
    tpu.wait_dma2 semaphore(%arg14 : memref<!tpu.dma_semaphore, #tpu.memory_space<semaphore_mem>>) src(%dma_wait3A_235 : memref<1264xf32, #tpu.memory_space<hbm>>) dst(%dma_wait3A_234 : memref<1264xf32, #tpu.memory_space<vmem>>)
    %dma_wait3A_236 = arith.constant 18960 : i32
    %dma_wait3A_237 = tpu.memref_slice %arg8[%dma_wait3A_236] : memref<20224xf32, #tpu.memory_space<vmem>> -> memref<1264xf32, #tpu.memory_space<vmem>>
    %dma_wait3A_238 = tpu.memref_slice %arg6[%add3A_181] : memref<323584xf32, #tpu.memory_space<hbm>> -> memref<1264xf32, #tpu.memory_space<hbm>>
    %dma_wait3A_239 = arith.constant 18960 : i32
    %dma_wait3A_240 = tpu.memref_slice %arg8[%dma_wait3A_239] : memref<20224xf32, #tpu.memory_space<vmem>> -> memref<1264xf32, #tpu.memory_space<vmem>>
    %dma_wait3A_241 = tpu.memref_slice %arg6[%add3A_181] : memref<323584xf32, #tpu.memory_space<hbm>> -> memref<1264xf32, #tpu.memory_space<hbm>>
    tpu.wait_dma2 semaphore(%arg14 : memref<!tpu.dma_semaphore, #tpu.memory_space<semaphore_mem>>) src(%dma_wait3A_241 : memref<1264xf32, #tpu.memory_space<hbm>>) dst(%dma_wait3A_240 : memref<1264xf32, #tpu.memory_space<vmem>>)
    %dma_wait3A_242 = arith.constant 18960 : i32
    %dma_wait3A_243 = tpu.memref_slice %arg8[%dma_wait3A_242] : memref<20224xf32, #tpu.memory_space<vmem>> -> memref<1264xf32, #tpu.memory_space<vmem>>
    %dma_wait3A_244 = tpu.memref_slice %arg6[%add3A_181] : memref<323584xf32, #tpu.memory_space<hbm>> -> memref<1264xf32, #tpu.memory_space<hbm>>
    %dma_wait3A_245 = arith.constant 18960 : i32
    %dma_wait3A_246 = tpu.memref_slice %arg8[%dma_wait3A_245] : memref<20224xf32, #tpu.memory_space<vmem>> -> memref<1264xf32, #tpu.memory_space<vmem>>
    %dma_wait3A_247 = tpu.memref_slice %arg6[%add3A_181] : memref<323584xf32, #tpu.memory_space<hbm>> -> memref<1264xf32, #tpu.memory_space<hbm>>
    tpu.wait_dma2 semaphore(%arg14 : memref<!tpu.dma_semaphore, #tpu.memory_space<semaphore_mem>>) src(%dma_wait3A_247 : memref<1264xf32, #tpu.memory_space<hbm>>) dst(%dma_wait3A_246 : memref<1264xf32, #tpu.memory_space<vmem>>)
    %dma_wait3A_248 = arith.constant 18960 : i32
    %dma_wait3A_249 = tpu.memref_slice %arg8[%dma_wait3A_248] : memref<20224xf32, #tpu.memory_space<vmem>> -> memref<1264xf32, #tpu.memory_space<vmem>>
    %dma_wait3A_250 = tpu.memref_slice %arg6[%add3A_181] : memref<323584xf32, #tpu.memory_space<hbm>> -> memref<1264xf32, #tpu.memory_space<hbm>>
    %dma_wait3A_251 = arith.constant 18960 : i32
    %dma_wait3A_252 = tpu.memref_slice %arg8[%dma_wait3A_251] : memref<20224xf32, #tpu.memory_space<vmem>> -> memref<1264xf32, #tpu.memory_space<vmem>>
    %dma_wait3A_253 = tpu.memref_slice %arg6[%add3A_181] : memref<323584xf32, #tpu.memory_space<hbm>> -> memref<1264xf32, #tpu.memory_space<hbm>>
    tpu.wait_dma2 semaphore(%arg14 : memref<!tpu.dma_semaphore, #tpu.memory_space<semaphore_mem>>) src(%dma_wait3A_253 : memref<1264xf32, #tpu.memory_space<hbm>>) dst(%dma_wait3A_252 : memref<1264xf32, #tpu.memory_space<vmem>>)
    %dma_wait3A_254 = arith.constant 18960 : i32
    %dma_wait3A_255 = tpu.memref_slice %arg8[%dma_wait3A_254] : memref<20224xf32, #tpu.memory_space<vmem>> -> memref<1264xf32, #tpu.memory_space<vmem>>
    %dma_wait3A_256 = tpu.memref_slice %arg6[%add3A_181] : memref<323584xf32, #tpu.memory_space<hbm>> -> memref<1264xf32, #tpu.memory_space<hbm>>
    %dma_wait3A_257 = arith.constant 18960 : i32
    %dma_wait3A_258 = tpu.memref_slice %arg8[%dma_wait3A_257] : memref<20224xf32, #tpu.memory_space<vmem>> -> memref<1264xf32, #tpu.memory_space<vmem>>
    %dma_wait3A_259 = tpu.memref_slice %arg6[%add3A_181] : memref<323584xf32, #tpu.memory_space<hbm>> -> memref<1264xf32, #tpu.memory_space<hbm>>
    tpu.wait_dma2 semaphore(%arg14 : memref<!tpu.dma_semaphore, #tpu.memory_space<semaphore_mem>>) src(%dma_wait3A_259 : memref<1264xf32, #tpu.memory_space<hbm>>) dst(%dma_wait3A_258 : memref<1264xf32, #tpu.memory_space<vmem>>)
    %dma_wait3A_260 = arith.constant 18960 : i32
    %dma_wait3A_261 = tpu.memref_slice %arg8[%dma_wait3A_260] : memref<20224xf32, #tpu.memory_space<vmem>> -> memref<1264xf32, #tpu.memory_space<vmem>>
    %dma_wait3A_262 = tpu.memref_slice %arg6[%add3A_181] : memref<323584xf32, #tpu.memory_space<hbm>> -> memref<1264xf32, #tpu.memory_space<hbm>>
    %dma_wait3A_263 = arith.constant 18960 : i32
    %dma_wait3A_264 = tpu.memref_slice %arg8[%dma_wait3A_263] : memref<20224xf32, #tpu.memory_space<vmem>> -> memref<1264xf32, #tpu.memory_space<vmem>>
    %dma_wait3A_265 = tpu.memref_slice %arg6[%add3A_181] : memref<323584xf32, #tpu.memory_space<hbm>> -> memref<1264xf32, #tpu.memory_space<hbm>>
    tpu.wait_dma2 semaphore(%arg14 : memref<!tpu.dma_semaphore, #tpu.memory_space<semaphore_mem>>) src(%dma_wait3A_265 : memref<1264xf32, #tpu.memory_space<hbm>>) dst(%dma_wait3A_264 : memref<1264xf32, #tpu.memory_space<vmem>>)
    %dma_wait3A_266 = arith.constant 18960 : i32
    %dma_wait3A_267 = tpu.memref_slice %arg8[%dma_wait3A_266] : memref<20224xf32, #tpu.memory_space<vmem>> -> memref<1264xf32, #tpu.memory_space<vmem>>
    %dma_wait3A_268 = tpu.memref_slice %arg6[%add3A_181] : memref<323584xf32, #tpu.memory_space<hbm>> -> memref<1264xf32, #tpu.memory_space<hbm>>
    %dma_wait3A_269 = arith.constant 18960 : i32
    %dma_wait3A_270 = tpu.memref_slice %arg8[%dma_wait3A_269] : memref<20224xf32, #tpu.memory_space<vmem>> -> memref<1264xf32, #tpu.memory_space<vmem>>
    %dma_wait3A_271 = tpu.memref_slice %arg6[%add3A_181] : memref<323584xf32, #tpu.memory_space<hbm>> -> memref<1264xf32, #tpu.memory_space<hbm>>
    tpu.wait_dma2 semaphore(%arg14 : memref<!tpu.dma_semaphore, #tpu.memory_space<semaphore_mem>>) src(%dma_wait3A_271 : memref<1264xf32, #tpu.memory_space<hbm>>) dst(%dma_wait3A_270 : memref<1264xf32, #tpu.memory_space<vmem>>)
    %dma_wait3A_272 = arith.constant 18960 : i32
    %dma_wait3A_273 = tpu.memref_slice %arg8[%dma_wait3A_272] : memref<20224xf32, #tpu.memory_space<vmem>> -> memref<1264xf32, #tpu.memory_space<vmem>>
    %dma_wait3A_274 = tpu.memref_slice %arg6[%add3A_181] : memref<323584xf32, #tpu.memory_space<hbm>> -> memref<1264xf32, #tpu.memory_space<hbm>>
    %dma_wait3A_275 = arith.constant 18960 : i32
    %dma_wait3A_276 = tpu.memref_slice %arg8[%dma_wait3A_275] : memref<20224xf32, #tpu.memory_space<vmem>> -> memref<1264xf32, #tpu.memory_space<vmem>>
    %dma_wait3A_277 = tpu.memref_slice %arg6[%add3A_181] : memref<323584xf32, #tpu.memory_space<hbm>> -> memref<1264xf32, #tpu.memory_space<hbm>>
    tpu.wait_dma2 semaphore(%arg14 : memref<!tpu.dma_semaphore, #tpu.memory_space<semaphore_mem>>) src(%dma_wait3A_277 : memref<1264xf32, #tpu.memory_space<hbm>>) dst(%dma_wait3A_276 : memref<1264xf32, #tpu.memory_space<vmem>>)
    %dma_wait3A_278 = arith.constant 18960 : i32
    %dma_wait3A_279 = tpu.memref_slice %arg8[%dma_wait3A_278] : memref<20224xf32, #tpu.memory_space<vmem>> -> memref<1264xf32, #tpu.memory_space<vmem>>
    %dma_wait3A_280 = tpu.memref_slice %arg6[%add3A_181] : memref<323584xf32, #tpu.memory_space<hbm>> -> memref<1264xf32, #tpu.memory_space<hbm>>
    %dma_wait3A_281 = arith.constant 18960 : i32
    %dma_wait3A_282 = tpu.memref_slice %arg8[%dma_wait3A_281] : memref<20224xf32, #tpu.memory_space<vmem>> -> memref<1264xf32, #tpu.memory_space<vmem>>
    %dma_wait3A_283 = tpu.memref_slice %arg6[%add3A_181] : memref<323584xf32, #tpu.memory_space<hbm>> -> memref<1264xf32, #tpu.memory_space<hbm>>
    tpu.wait_dma2 semaphore(%arg14 : memref<!tpu.dma_semaphore, #tpu.memory_space<semaphore_mem>>) src(%dma_wait3A_283 : memref<1264xf32, #tpu.memory_space<hbm>>) dst(%dma_wait3A_282 : memref<1264xf32, #tpu.memory_space<vmem>>)
    %scan3A_284 = arith.constant 0 : i32
    %scan3A_285 = arith.constant 0 : i32
    %scan3A_286 = arith.constant 79 : i32
    %scan3A_287 = arith.addi %scan3A_285, %scan3A_286 : i32
    %scan3A_288 = arith.constant 1 : i32
    %scan3A_289 = scf.for %scan3A_311 = %scan3A_285 to %scan3A_287 step %scan3A_288 iter_args(%scan3A_312 = %scan3A_284) -> (i32)  : i32 {
      %mul3A_313 = arith.constant 16 : i32
      %mul3A_314 = arith.muli %scan3A_311, %mul3A_313 : i32
      %get3A = arith.index_cast %mul3A_314 : i32 to index
      %get3A_315 = tpu.vector_load %arg8[%get3A] {strides = array<i32>} : memref<20224xf32, #tpu.memory_space<vmem>>, vector<16xf32>,
      %add3A_316 = arith.constant 1264 : i32
      %add3A_317 = arith.addi %add3A_316, %mul3A_314 : i32
      %get3A_318 = arith.index_cast %add3A_317 : i32 to index
      %get3A_319 = tpu.vector_load %arg8[%get3A_318] {strides = array<i32>} : memref<20224xf32, #tpu.memory_space<vmem>>, vector<16xf32>,
      %max3A = arith.maximumf %get3A_315, %get3A_319 : vector<16xf32>
      %add3A_320 = arith.constant 2528 : i32
      %add3A_321 = arith.addi %add3A_320, %mul3A_314 : i32
      %get3A_322 = arith.index_cast %add3A_321 : i32 to index
      %get3A_323 = tpu.vector_load %arg8[%get3A_322] {strides = array<i32>} : memref<20224xf32, #tpu.memory_space<vmem>>, vector<16xf32>,
      %max3A_324 = arith.maximumf %max3A, %get3A_323 : vector<16xf32>
      %add3A_325 = arith.constant 3792 : i32
      %add3A_326 = arith.addi %add3A_325, %mul3A_314 : i32
      %get3A_327 = arith.index_cast %add3A_326 : i32 to index
      %get3A_328 = tpu.vector_load %arg8[%get3A_327] {strides = array<i32>} : memref<20224xf32, #tpu.memory_space<vmem>>, vector<16xf32>,
      %max3A_329 = arith.maximumf %max3A_324, %get3A_328 : vector<16xf32>
      %add3A_330 = arith.constant 5056 : i32
      %add3A_331 = arith.addi %add3A_330, %mul3A_314 : i32
      %get3A_332 = arith.index_cast %add3A_331 : i32 to index
      %get3A_333 = tpu.vector_load %arg8[%get3A_332] {strides = array<i32>} : memref<20224xf32, #tpu.memory_space<vmem>>, vector<16xf32>,
      %max3A_334 = arith.maximumf %max3A_329, %get3A_333 : vector<16xf32>
      %add3A_335 = arith.constant 6320 : i32
      %add3A_336 = arith.addi %add3A_335, %mul3A_314 : i32
      %get3A_337 = arith.index_cast %add3A_336 : i32 to index
      %get3A_338 = tpu.vector_load %arg8[%get3A_337] {strides = array<i32>} : memref<20224xf32, #tpu.memory_space<vmem>>, vector<16xf32>,
      %max3A_339 = arith.maximumf %max3A_334, %get3A_338 : vector<16xf32>
      %add3A_340 = arith.constant 7584 : i32
      %add3A_341 = arith.addi %add3A_340, %mul3A_314 : i32
      %get3A_342 = arith.index_cast %add3A_341 : i32 to index
      %get3A_343 = tpu.vector_load %arg8[%get3A_342] {strides = array<i32>} : memref<20224xf32, #tpu.memory_space<vmem>>, vector<16xf32>,
      %max3A_344 = arith.maximumf %max3A_339, %get3A_343 : vector<16xf32>
      %add3A_345 = arith.constant 8848 : i32
      %add3A_346 = arith.addi %add3A_345, %mul3A_314 : i32
      %get3A_347 = arith.index_cast %add3A_346 : i32 to index
      %get3A_348 = tpu.vector_load %arg8[%get3A_347] {strides = array<i32>} : memref<20224xf32, #tpu.memory_space<vmem>>, vector<16xf32>,
      %max3A_349 = arith.maximumf %max3A_344, %get3A_348 : vector<16xf32>
      %add3A_350 = arith.constant 10112 : i32
      %add3A_351 = arith.addi %add3A_350, %mul3A_314 : i32
      %get3A_352 = arith.index_cast %add3A_351 : i32 to index
      %get3A_353 = tpu.vector_load %arg8[%get3A_352] {strides = array<i32>} : memref<20224xf32, #tpu.memory_space<vmem>>, vector<16xf32>,
      %max3A_354 = arith.maximumf %max3A_349, %get3A_353 : vector<16xf32>
      %add3A_355 = arith.constant 11376 : i32
      %add3A_356 = arith.addi %add3A_355, %mul3A_314 : i32
      %get3A_357 = arith.index_cast %add3A_356 : i32 to index
      %get3A_358 = tpu.vector_load %arg8[%get3A_357] {strides = array<i32>} : memref<20224xf32, #tpu.memory_space<vmem>>, vector<16xf32>,
      %max3A_359 = arith.maximumf %max3A_354, %get3A_358 : vector<16xf32>
      %add3A_360 = arith.constant 12640 : i32
      %add3A_361 = arith.addi %add3A_360, %mul3A_314 : i32
      %get3A_362 = arith.index_cast %add3A_361 : i32 to index
      %get3A_363 = tpu.vector_load %arg8[%get3A_362] {strides = array<i32>} : memref<20224xf32, #tpu.memory_space<vmem>>, vector<16xf32>,
      %max3A_364 = arith.maximumf %max3A_359, %get3A_363 : vector<16xf32>
      %add3A_365 = arith.constant 13904 : i32
      %add3A_366 = arith.addi %add3A_365, %mul3A_314 : i32
      %get3A_367 = arith.index_cast %add3A_366 : i32 to index
      %get3A_368 = tpu.vector_load %arg8[%get3A_367] {strides = array<i32>} : memref<20224xf32, #tpu.memory_space<vmem>>, vector<16xf32>,
      %max3A_369 = arith.maximumf %max3A_364, %get3A_368 : vector<16xf32>
      %add3A_370 = arith.constant 15168 : i32
      %add3A_371 = arith.addi %add3A_370, %mul3A_314 : i32
      %get3A_372 = arith.index_cast %add3A_371 : i32 to index
      %get3A_373 = tpu.vector_load %arg8[%get3A_372] {strides = array<i32>} : memref<20224xf32, #tpu.memory_space<vmem>>, vector<16xf32>,
      %max3A_374 = arith.maximumf %max3A_369, %get3A_373 : vector<16xf32>
      %add3A_375 = arith.constant 16432 : i32
      %add3A_376 = arith.addi %add3A_375, %mul3A_314 : i32
      %get3A_377 = arith.index_cast %add3A_376 : i32 to index
      %get3A_378 = tpu.vector_load %arg8[%get3A_377] {strides = array<i32>} : memref<20224xf32, #tpu.memory_space<vmem>>, vector<16xf32>,
      %max3A_379 = arith.maximumf %max3A_374, %get3A_378 : vector<16xf32>
      %add3A_380 = arith.constant 17696 : i32
      %add3A_381 = arith.addi %add3A_380, %mul3A_314 : i32
      %get3A_382 = arith.index_cast %add3A_381 : i32 to index
      %get3A_383 = tpu.vector_load %arg8[%get3A_382] {strides = array<i32>} : memref<20224xf32, #tpu.memory_space<vmem>>, vector<16xf32>,
      %max3A_384 = arith.maximumf %max3A_379, %get3A_383 : vector<16xf32>
      %add3A_385 = arith.constant 18960 : i32
      %add3A_386 = arith.addi %add3A_385, %mul3A_314 : i32
      %get3A_387 = arith.index_cast %add3A_386 : i32 to index
      %get3A_388 = tpu.vector_load %arg8[%get3A_387] {strides = array<i32>} : memref<20224xf32, #tpu.memory_space<vmem>>, vector<16xf32>,
      %max3A_389 = arith.maximumf %max3A_384, %get3A_388 : vector<16xf32>
      %swap3A = arith.index_cast %mul3A_314 : i32 to index
      %swap3A_390 = tpu.vector_load %arg9[%swap3A] {strides = array<i32>} : memref<20224xf32, #tpu.memory_space<vmem>>, vector<16xf32>,
      tpu.vector_store %arg9[%swap3A], %max3A_389 {strides = array<i32>} : memref<20224xf32, #tpu.memory_space<vmem>>, vector<16xf32>,
      %scan3A_391 = arith.constant 0 : i32
      scf.yield %scan3A_391 : i32
    }
    %scan3A_290 = arith.constant 79 : i32
    %mul3A_291 = arith.constant 1264 : i32
    %mul3A_292 = arith.muli %arg1, %mul3A_291 : i32
    "tpu.region"() ({
      %run_scoped3A = tpu.sem_alloc : memref<!tpu.dma_semaphore, #tpu.memory_space<semaphore_mem>>
      %dma_start3A_311 = arith.constant 0 : i32
      %dma_start3A_312 = tpu.memref_slice %arg9[%dma_start3A_311] : memref<20224xf32, #tpu.memory_space<vmem>> -> memref<1264xf32, #tpu.memory_space<vmem>>
      %dma_start3A_313 = tpu.memref_slice %arg7[%mul3A_292] : memref<20224xf32, #tpu.memory_space<hbm>> -> memref<1264xf32, #tpu.memory_space<hbm>>
      %dma_start3A_314 = tpu.memref_slice %arg7[%mul3A_292] : memref<20224xf32, #tpu.memory_space<hbm>> -> memref<1264xf32, #tpu.memory_space<hbm>>
      %dma_start3A_315 = arith.constant 0 : i32
      %dma_start3A_316 = tpu.memref_slice %arg9[%dma_start3A_315] : memref<20224xf32, #tpu.memory_space<vmem>> -> memref<1264xf32, #tpu.memory_space<vmem>>
      tpu.enqueue_dma source(%dma_start3A_316 : memref<1264xf32, #tpu.memory_space<vmem>>) target(%dma_start3A_314 : memref<1264xf32, #tpu.memory_space<hbm>>) target_semaphore(%run_scoped3A : memref<!tpu.dma_semaphore, #tpu.memory_space<semaphore_mem>>)
      %dma_wait3A_317 = arith.constant 0 : i32
      %dma_wait3A_318 = tpu.memref_slice %arg9[%dma_wait3A_317] : memref<20224xf32, #tpu.memory_space<vmem>> -> memref<1264xf32, #tpu.memory_space<vmem>>
      %dma_wait3A_319 = tpu.memref_slice %arg7[%mul3A_292] : memref<20224xf32, #tpu.memory_space<hbm>> -> memref<1264xf32, #tpu.memory_space<hbm>>
      %dma_wait3A_320 = tpu.memref_slice %arg7[%mul3A_292] : memref<20224xf32, #tpu.memory_space<hbm>> -> memref<1264xf32, #tpu.memory_space<hbm>>
      %dma_wait3A_321 = arith.constant 0 : i32
      %dma_wait3A_322 = tpu.memref_slice %arg9[%dma_wait3A_321] : memref<20224xf32, #tpu.memory_space<vmem>> -> memref<1264xf32, #tpu.memory_space<vmem>>
      tpu.wait_dma2 semaphore(%run_scoped3A : memref<!tpu.dma_semaphore, #tpu.memory_space<semaphore_mem>>) src(%dma_wait3A_322 : memref<1264xf32, #tpu.memory_space<vmem>>) dst(%dma_wait3A_320 : memref<1264xf32, #tpu.memory_space<hbm>>)
      tpu.yield
    }) : () -> ()
    %barrier3A_293 = arith.constant 0 : index
    tpu.barrier barrier_id(%barrier3A_293)
    "tpu.region"() ({
      %run_scoped3A = tpu.sem_alloc : memref<!tpu.dma_semaphore, #tpu.memory_space<semaphore_mem>>
      %dma_start3A_311 = arith.constant 0 : i32
      %dma_start3A_312 = tpu.memref_slice %arg8[%dma_start3A_311] : memref<20224xf32, #tpu.memory_space<vmem>> -> memref<20224xf32, #tpu.memory_space<vmem>>
      %dma_start3A_313 = arith.constant 0 : i32
      %dma_start3A_314 = tpu.memref_slice %arg8[%dma_start3A_313] : memref<20224xf32, #tpu.memory_space<vmem>> -> memref<20224xf32, #tpu.memory_space<vmem>>
      tpu.enqueue_dma source(%arg7 : memref<20224xf32, #tpu.memory_space<hbm>>) target(%dma_start3A_314 : memref<20224xf32, #tpu.memory_space<vmem>>) target_semaphore(%run_scoped3A : memref<!tpu.dma_semaphore, #tpu.memory_space<semaphore_mem>>)
      %dma_wait3A_315 = arith.constant 0 : i32
      %dma_wait3A_316 = tpu.memref_slice %arg8[%dma_wait3A_315] : memref<20224xf32, #tpu.memory_space<vmem>> -> memref<20224xf32, #tpu.memory_space<vmem>>
      %dma_wait3A_317 = arith.constant 0 : i32
      %dma_wait3A_318 = tpu.memref_slice %arg8[%dma_wait3A_317] : memref<20224xf32, #tpu.memory_space<vmem>> -> memref<20224xf32, #tpu.memory_space<vmem>>
      tpu.wait_dma2 semaphore(%run_scoped3A : memref<!tpu.dma_semaphore, #tpu.memory_space<semaphore_mem>>) src(%arg7 : memref<20224xf32, #tpu.memory_space<hbm>>) dst(%dma_wait3A_318 : memref<20224xf32, #tpu.memory_space<vmem>>)
      tpu.yield
    }) : () -> ()
    %scan3A_294 = arith.constant 0 : i32
    %scan3A_295 = arith.constant 0 : i32
    %scan3A_296 = arith.constant 98 : i32
    %scan3A_297 = arith.addi %scan3A_295, %scan3A_296 : i32
    %scan3A_298 = arith.constant 1 : i32
    %scan3A_299 = scf.for %scan3A_311 = %scan3A_295 to %scan3A_297 step %scan3A_298 iter_args(%scan3A_312 = %scan3A_294) -> (i32)  : i32 {
      %mul3A_313 = arith.constant 2 : i32
      %mul3A_314 = arith.muli %scan3A_311, %mul3A_313 : i32
      %add3A_315 = arith.constant 0 : i32
      %add3A_316 = arith.addi %mul3A_314, %add3A_315 : i32
      %mul3A_317 = arith.constant 16 : i32
      %mul3A_318 = arith.muli %add3A_316, %mul3A_317 : i32
      %get3A = arith.index_cast %mul3A_318 : i32 to index
      %get3A_319 = tpu.vector_load %arg13[%get3A] {strides = array<i32>} : memref<3136xf32, #tpu.memory_space<vmem>>, vector<16xf32>,
      %get3A_320 = arith.index_cast %mul3A_318 : i32 to index
      %get3A_321 = tpu.vector_load %arg10[%get3A_320] {strides = array<i32>} : memref<3136xi32, #tpu.memory_space<vmem>>, vector<16xi32>,
      %gather3A = tpu.vector_load_idx %arg8[%get3A_321] : memref<20224xf32, #tpu.memory_space<vmem>>[vector<16xi32>], vector<16xf32>,
      %get3A_322 = arith.index_cast %mul3A_318 : i32 to index
      %get3A_323 = tpu.vector_load %arg11[%get3A_322] {strides = array<i32>} : memref<3136xi32, #tpu.memory_space<vmem>>, vector<16xi32>,
      %gather3A_324 = tpu.vector_load_idx %arg8[%get3A_323] : memref<20224xf32, #tpu.memory_space<vmem>>[vector<16xi32>], vector<16xf32>,
      %gt3A = arith.constant 0.000000e+00 : f32
      %gt3A_325 = vector.broadcast %gt3A : f32 to vector<16xf32>
      %gt3A_326 = arith.cmpf ogt, %get3A_319, %gt3A_325 : vector<16xf32>
      %ge3A = arith.cmpf oge, %get3A_319, %gather3A : vector<16xf32>
      %and3A = arith.andi %gt3A_326, %ge3A : vector<16xi1>
      %ge3A_327 = arith.cmpf oge, %get3A_319, %gather3A_324 : vector<16xf32>
      %and3A_328 = arith.andi %and3A, %ge3A_327 : vector<16xi1>
      %jit3A = arith.constant 0.000000e+00 : f32
      %broadcast_in_dim3A_329 = vector.broadcast %jit3A : f32 to vector<16xf32>
      %select_n3A = arith.select %and3A_328, %get3A_319, %broadcast_in_dim3A_329 : vector<16xi1>, vector<16xf32>
      %swap3A = arith.index_cast %mul3A_318 : i32 to index
      %swap3A_330 = tpu.vector_load %arg13[%swap3A] {strides = array<i32>} : memref<3136xf32, #tpu.memory_space<vmem>>, vector<16xf32>,
      tpu.vector_store %arg13[%swap3A], %select_n3A {strides = array<i32>} : memref<3136xf32, #tpu.memory_space<vmem>>, vector<16xf32>,
      %mul3A_331 = arith.constant 2 : i32
      %mul3A_332 = arith.muli %scan3A_311, %mul3A_331 : i32
      %add3A_333 = arith.constant 1 : i32
      %add3A_334 = arith.addi %mul3A_332, %add3A_333 : i32
      %mul3A_335 = arith.constant 16 : i32
      %mul3A_336 = arith.muli %add3A_334, %mul3A_335 : i32
      %get3A_337 = arith.index_cast %mul3A_336 : i32 to index
      %get3A_338 = tpu.vector_load %arg13[%get3A_337] {strides = array<i32>} : memref<3136xf32, #tpu.memory_space<vmem>>, vector<16xf32>,
      %get3A_339 = arith.index_cast %mul3A_336 : i32 to index
      %get3A_340 = tpu.vector_load %arg10[%get3A_339] {strides = array<i32>} : memref<3136xi32, #tpu.memory_space<vmem>>, vector<16xi32>,
      %gather3A_341 = tpu.vector_load_idx %arg8[%get3A_340] : memref<20224xf32, #tpu.memory_space<vmem>>[vector<16xi32>], vector<16xf32>,
      %get3A_342 = arith.index_cast %mul3A_336 : i32 to index
      %get3A_343 = tpu.vector_load %arg11[%get3A_342] {strides = array<i32>} : memref<3136xi32, #tpu.memory_space<vmem>>, vector<16xi32>,
      %gather3A_344 = tpu.vector_load_idx %arg8[%get3A_343] : memref<20224xf32, #tpu.memory_space<vmem>>[vector<16xi32>], vector<16xf32>,
      %gt3A_345 = arith.constant 0.000000e+00 : f32
      %gt3A_346 = vector.broadcast %gt3A_345 : f32 to vector<16xf32>
      %gt3A_347 = arith.cmpf ogt, %get3A_338, %gt3A_346 : vector<16xf32>
      %ge3A_348 = arith.cmpf oge, %get3A_338, %gather3A_341 : vector<16xf32>
      %and3A_349 = arith.andi %gt3A_347, %ge3A_348 : vector<16xi1>
      %ge3A_350 = arith.cmpf oge, %get3A_338, %gather3A_344 : vector<16xf32>
      %and3A_351 = arith.andi %and3A_349, %ge3A_350 : vector<16xi1>
      %jit3A_352 = arith.constant 0.000000e+00 : f32
      %broadcast_in_dim3A_353 = vector.broadcast %jit3A_352 : f32 to vector<16xf32>
      %select_n3A_354 = arith.select %and3A_351, %get3A_338, %broadcast_in_dim3A_353 : vector<16xi1>, vector<16xf32>
      %swap3A_355 = arith.index_cast %mul3A_336 : i32 to index
      %swap3A_356 = tpu.vector_load %arg13[%swap3A_355] {strides = array<i32>} : memref<3136xf32, #tpu.memory_space<vmem>>, vector<16xf32>,
      tpu.vector_store %arg13[%swap3A_355], %select_n3A_354 {strides = array<i32>} : memref<3136xf32, #tpu.memory_space<vmem>>, vector<16xf32>,
      %scan3A_357 = arith.constant 0 : i32
      scf.yield %scan3A_357 : i32
    }
    %scan3A_300 = arith.constant 98 : i32
    %lt3A_301 = arith.constant 15 : i32
    %lt3A_302 = arith.cmpi slt, %arg1, %lt3A_301 : i32
    %convert_element_type3A_303 = arith.extui %lt3A_302 : i1 to i32
    %cond3A_304 = arith.constant 0 : i32
    %cond3A_305 = arith.cmpi ne, %convert_element_type3A_303, %cond3A_304 : i32
    scf.if %cond3A_305 {
      "tpu.region"() ({
        %run_scoped3A = tpu.sem_alloc : memref<!tpu.dma_semaphore, #tpu.memory_space<semaphore_mem>>
        %dma_start3A_311 = tpu.memref_slice %arg5[%mul3A_0] : memref<50000xf32, #tpu.memory_space<hbm>> -> memref<3136xf32, #tpu.memory_space<hbm>>
        %dma_start3A_312 = tpu.memref_slice %arg5[%mul3A_0] : memref<50000xf32, #tpu.memory_space<hbm>> -> memref<3136xf32, #tpu.memory_space<hbm>>
        tpu.enqueue_dma source(%arg13 : memref<3136xf32, #tpu.memory_space<vmem>>) target(%dma_start3A_312 : memref<3136xf32, #tpu.memory_space<hbm>>) target_semaphore(%run_scoped3A : memref<!tpu.dma_semaphore, #tpu.memory_space<semaphore_mem>>)
        %dma_wait3A_313 = tpu.memref_slice %arg5[%mul3A_0] : memref<50000xf32, #tpu.memory_space<hbm>> -> memref<3136xf32, #tpu.memory_space<hbm>>
        %dma_wait3A_314 = tpu.memref_slice %arg5[%mul3A_0] : memref<50000xf32, #tpu.memory_space<hbm>> -> memref<3136xf32, #tpu.memory_space<hbm>>
        tpu.wait_dma2 semaphore(%run_scoped3A : memref<!tpu.dma_semaphore, #tpu.memory_space<semaphore_mem>>) src(%arg13 : memref<3136xf32, #tpu.memory_space<vmem>>) dst(%dma_wait3A_314 : memref<3136xf32, #tpu.memory_space<hbm>>)
        tpu.yield
      }) : () -> ()
    } else {
    }
    %eq3A_306 = arith.constant 15 : i32
    %eq3A_307 = arith.cmpi eq, %arg1, %eq3A_306 : i32
    %convert_element_type3A_308 = arith.extui %eq3A_307 : i1 to i32
    %cond3A_309 = arith.constant 0 : i32
    %cond3A_310 = arith.cmpi ne, %convert_element_type3A_308, %cond3A_309 : i32
    scf.if %cond3A_310 {
      "tpu.region"() ({
        %run_scoped3A = tpu.sem_alloc : memref<!tpu.dma_semaphore, #tpu.memory_space<semaphore_mem>>
        %dma_start3A_311 = arith.constant 0 : i32
        %dma_start3A_312 = tpu.memref_slice %arg13[%dma_start3A_311] : memref<3136xf32, #tpu.memory_space<vmem>> -> memref<2960xf32, #tpu.memory_space<vmem>>
        %dma_start3A_313 = tpu.memref_slice %arg5[%mul3A_0] : memref<50000xf32, #tpu.memory_space<hbm>> -> memref<2960xf32, #tpu.memory_space<hbm>>
        %dma_start3A_314 = tpu.memref_slice %arg5[%mul3A_0] : memref<50000xf32, #tpu.memory_space<hbm>> -> memref<2960xf32, #tpu.memory_space<hbm>>
        %dma_start3A_315 = arith.constant 0 : i32
        %dma_start3A_316 = tpu.memref_slice %arg13[%dma_start3A_315] : memref<3136xf32, #tpu.memory_space<vmem>> -> memref<2960xf32, #tpu.memory_space<vmem>>
        tpu.enqueue_dma source(%dma_start3A_316 : memref<2960xf32, #tpu.memory_space<vmem>>) target(%dma_start3A_314 : memref<2960xf32, #tpu.memory_space<hbm>>) target_semaphore(%run_scoped3A : memref<!tpu.dma_semaphore, #tpu.memory_space<semaphore_mem>>)
        %dma_wait3A_317 = arith.constant 0 : i32
        %dma_wait3A_318 = tpu.memref_slice %arg13[%dma_wait3A_317] : memref<3136xf32, #tpu.memory_space<vmem>> -> memref<2960xf32, #tpu.memory_space<vmem>>
        %dma_wait3A_319 = tpu.memref_slice %arg5[%mul3A_0] : memref<50000xf32, #tpu.memory_space<hbm>> -> memref<2960xf32, #tpu.memory_space<hbm>>
        %dma_wait3A_320 = tpu.memref_slice %arg5[%mul3A_0] : memref<50000xf32, #tpu.memory_space<hbm>> -> memref<2960xf32, #tpu.memory_space<hbm>>
        %dma_wait3A_321 = arith.constant 0 : i32
        %dma_wait3A_322 = tpu.memref_slice %arg13[%dma_wait3A_321] : memref<3136xf32, #tpu.memory_space<vmem>> -> memref<2960xf32, #tpu.memory_space<vmem>>
        tpu.wait_dma2 semaphore(%run_scoped3A : memref<!tpu.dma_semaphore, #tpu.memory_space<semaphore_mem>>) src(%dma_wait3A_322 : memref<2960xf32, #tpu.memory_space<vmem>>) dst(%dma_wait3A_320 : memref<2960xf32, #tpu.memory_space<hbm>>)
        tpu.yield
      }) : () -> ()
    } else {
    }
    return
  }
}

module attributes {stable_mosaic.version = 14 : i64} {
  func.func @_entropy_tc_body(%arg0: memref<2x20000xf32, #tpu.memory_space<vmem>>, %arg1: memref<2x50000xf32, #tpu.memory_space<vmem>>, %arg2: memref<20000xf32, #tpu.memory_space<vmem>>, %arg3: memref<50000xf32, #tpu.memory_space<vmem>>) attributes {dimension_semantics = [], scalar_prefetch = 0 : i64, scratch_operands = 0 : i64, tpu.core_type = #tpu.core_type<tc>} {
    %get3A = arith.constant 0 : index
    %get3A_0 = arith.constant 0 : index
    %get3A_1 = vector.load %arg0[%get3A, %get3A_0] : memref<2x20000xf32, #tpu.memory_space<vmem>>, vector<1x20000xf32>
    %get3A_2 = vector.shape_cast %get3A_1 : vector<1x20000xf32> to vector<20000xf32>
    %get3A_3 = arith.constant 1 : index
    %get3A_4 = arith.constant 0 : index
    %get3A_5 = vector.load %arg0[%get3A_3, %get3A_4] : memref<2x20000xf32, #tpu.memory_space<vmem>>, vector<1x20000xf32>
    %get3A_6 = vector.shape_cast %get3A_5 : vector<1x20000xf32> to vector<20000xf32>
    %max3A = arith.maximumf %get3A_2, %get3A_6 : vector<20000xf32>
    %sub3A = arith.subf %get3A_2, %max3A : vector<20000xf32>
    %exp3A = math.exp %sub3A : vector<20000xf32>
    %sub3A_7 = arith.subf %get3A_6, %max3A : vector<20000xf32>
    %exp3A_8 = math.exp %sub3A_7 : vector<20000xf32>
    %add3A = arith.addf %exp3A, %exp3A_8 : vector<20000xf32>
    %div3A = arith.divf %exp3A, %add3A : vector<20000xf32>
    %div3A_9 = arith.divf %exp3A_8, %add3A : vector<20000xf32>
    %add3A_10 = arith.constant 1.000000e-10 : f32
    %add3A_11 = vector.broadcast %add3A_10 : f32 to vector<20000xf32>
    %add3A_12 = arith.addf %div3A, %add3A_11 : vector<20000xf32>
    %add3A_13 = arith.constant 1.000000e-10 : f32
    %add3A_14 = vector.broadcast %add3A_13 : f32 to vector<20000xf32>
    %add3A_15 = arith.addf %div3A, %add3A_14 : vector<20000xf32>
    %div3A_16 = arith.constant 1.000000e+00 : f32
    %div3A_17 = vector.broadcast %div3A_16 : f32 to vector<20000xf32>
    %div3A_18 = arith.divf %div3A_17, %add3A_15 : vector<20000xf32>
    %add3A_19 = arith.constant 1.000000e-10 : f32
    %add3A_20 = vector.broadcast %add3A_19 : f32 to vector<20000xf32>
    %add3A_21 = arith.addf %div3A_18, %add3A_20 : vector<20000xf32>
    %log3A = math.log %add3A_21 : vector<20000xf32>
    %mul3A = arith.mulf %add3A_12, %log3A : vector<20000xf32>
    %add3A_22 = arith.constant 1.000000e-10 : f32
    %add3A_23 = vector.broadcast %add3A_22 : f32 to vector<20000xf32>
    %add3A_24 = arith.addf %div3A_9, %add3A_23 : vector<20000xf32>
    %add3A_25 = arith.constant 1.000000e-10 : f32
    %add3A_26 = vector.broadcast %add3A_25 : f32 to vector<20000xf32>
    %add3A_27 = arith.addf %div3A_9, %add3A_26 : vector<20000xf32>
    %div3A_28 = arith.constant 1.000000e+00 : f32
    %div3A_29 = vector.broadcast %div3A_28 : f32 to vector<20000xf32>
    %div3A_30 = arith.divf %div3A_29, %add3A_27 : vector<20000xf32>
    %add3A_31 = arith.constant 1.000000e-10 : f32
    %add3A_32 = vector.broadcast %add3A_31 : f32 to vector<20000xf32>
    %add3A_33 = arith.addf %div3A_30, %add3A_32 : vector<20000xf32>
    %log3A_34 = math.log %add3A_33 : vector<20000xf32>
    %mul3A_35 = arith.mulf %add3A_24, %log3A_34 : vector<20000xf32>
    %add3A_36 = arith.addf %mul3A, %mul3A_35 : vector<20000xf32>
    %mul3A_37 = arith.constant 1.010000e+00 : f32
    %mul3A_38 = vector.broadcast %mul3A_37 : f32 to vector<20000xf32>
    %mul3A_39 = arith.mulf %add3A_36, %mul3A_38 : vector<20000xf32>
    %swap3A = arith.constant 0 : index
    %swap3A_40 = vector.load %arg2[%swap3A] : memref<20000xf32, #tpu.memory_space<vmem>>, vector<20000xf32>
    tpu.vector_store %arg2[%swap3A], %mul3A_39 {strides = array<i32>} : memref<20000xf32, #tpu.memory_space<vmem>>, vector<20000xf32>,
    %get3A_41 = arith.constant 0 : index
    %get3A_42 = arith.constant 0 : index
    %get3A_43 = vector.load %arg1[%get3A_41, %get3A_42] : memref<2x50000xf32, #tpu.memory_space<vmem>>, vector<1x50000xf32>
    %get3A_44 = vector.shape_cast %get3A_43 : vector<1x50000xf32> to vector<50000xf32>
    %get3A_45 = arith.constant 1 : index
    %get3A_46 = arith.constant 0 : index
    %get3A_47 = vector.load %arg1[%get3A_45, %get3A_46] : memref<2x50000xf32, #tpu.memory_space<vmem>>, vector<1x50000xf32>
    %get3A_48 = vector.shape_cast %get3A_47 : vector<1x50000xf32> to vector<50000xf32>
    %max3A_49 = arith.maximumf %get3A_44, %get3A_48 : vector<50000xf32>
    %sub3A_50 = arith.subf %get3A_44, %max3A_49 : vector<50000xf32>
    %exp3A_51 = math.exp %sub3A_50 : vector<50000xf32>
    %sub3A_52 = arith.subf %get3A_48, %max3A_49 : vector<50000xf32>
    %exp3A_53 = math.exp %sub3A_52 : vector<50000xf32>
    %add3A_54 = arith.addf %exp3A_51, %exp3A_53 : vector<50000xf32>
    %div3A_55 = arith.divf %exp3A_51, %add3A_54 : vector<50000xf32>
    %div3A_56 = arith.divf %exp3A_53, %add3A_54 : vector<50000xf32>
    %add3A_57 = arith.constant 1.000000e-10 : f32
    %add3A_58 = vector.broadcast %add3A_57 : f32 to vector<50000xf32>
    %add3A_59 = arith.addf %div3A_55, %add3A_58 : vector<50000xf32>
    %add3A_60 = arith.constant 1.000000e-10 : f32
    %add3A_61 = vector.broadcast %add3A_60 : f32 to vector<50000xf32>
    %add3A_62 = arith.addf %div3A_55, %add3A_61 : vector<50000xf32>
    %div3A_63 = arith.constant 1.000000e+00 : f32
    %div3A_64 = vector.broadcast %div3A_63 : f32 to vector<50000xf32>
    %div3A_65 = arith.divf %div3A_64, %add3A_62 : vector<50000xf32>
    %add3A_66 = arith.constant 1.000000e-10 : f32
    %add3A_67 = vector.broadcast %add3A_66 : f32 to vector<50000xf32>
    %add3A_68 = arith.addf %div3A_65, %add3A_67 : vector<50000xf32>
    %log3A_69 = math.log %add3A_68 : vector<50000xf32>
    %mul3A_70 = arith.mulf %add3A_59, %log3A_69 : vector<50000xf32>
    %add3A_71 = arith.constant 1.000000e-10 : f32
    %add3A_72 = vector.broadcast %add3A_71 : f32 to vector<50000xf32>
    %add3A_73 = arith.addf %div3A_56, %add3A_72 : vector<50000xf32>
    %add3A_74 = arith.constant 1.000000e-10 : f32
    %add3A_75 = vector.broadcast %add3A_74 : f32 to vector<50000xf32>
    %add3A_76 = arith.addf %div3A_56, %add3A_75 : vector<50000xf32>
    %div3A_77 = arith.constant 1.000000e+00 : f32
    %div3A_78 = vector.broadcast %div3A_77 : f32 to vector<50000xf32>
    %div3A_79 = arith.divf %div3A_78, %add3A_76 : vector<50000xf32>
    %add3A_80 = arith.constant 1.000000e-10 : f32
    %add3A_81 = vector.broadcast %add3A_80 : f32 to vector<50000xf32>
    %add3A_82 = arith.addf %div3A_79, %add3A_81 : vector<50000xf32>
    %log3A_83 = math.log %add3A_82 : vector<50000xf32>
    %mul3A_84 = arith.mulf %add3A_73, %log3A_83 : vector<50000xf32>
    %add3A_85 = arith.addf %mul3A_70, %mul3A_84 : vector<50000xf32>
    %mul3A_86 = arith.constant 1.010000e+00 : f32
    %mul3A_87 = vector.broadcast %mul3A_86 : f32 to vector<50000xf32>
    %mul3A_88 = arith.mulf %add3A_85, %mul3A_87 : vector<50000xf32>
    %swap3A_89 = arith.constant 0 : index
    %swap3A_90 = vector.load %arg3[%swap3A_89] : memref<50000xf32, #tpu.memory_space<vmem>>, vector<50000xf32>
    tpu.vector_store %arg3[%swap3A_89], %mul3A_88 {strides = array<i32>} : memref<50000xf32, #tpu.memory_space<vmem>>, vector<50000xf32>,
    return
  }
}

</mosaic_0001>

<sc_bundles>
// kernel: kernel.4.cloned.1.call-start
scs
__scs_entry_jumppad:
0x0: {  	(pc) =	sbr.rel $0x88, $3  }
0x1: {  	(tag) =	ssettag $0x0;
	lr =	simm.s32 $0x1  }
0x2: {  	[smem:$0x3F9E] =	sst lr;
	_ =	strace $0xD0000000  }
0x3: {  	_ = 	snop  }
0x4: {  	_ = 	snop  }
0x5: {  	_ = 	snop  }
0x6: {  	_ = 	snop  }
0x7: {  	_ = 	snop  }
__scs_overlays_trampoline_lowered:
0x8: {  	[smem:$0x3FAD] =	sst s0  }
0x9: {  	[smem:$0x3FAE] =	sst s1  }
0xa: {  	[smem:$0x3FAF] =	sst s2  }
0xb: {  	[smem:$0x3FB0] =	sst s3  }
0xc: {  	[smem:$0x3FB1] =	sst s4  }
0xd: {  	[smem:$0x3FB2] =	sst s5  }
0xe: {  	[smem:$0x3FB3] =	sst s6  }
0xf: {  	[smem:$0x3FB4] =	sst s7  }
0x10: {  	[smem:$0x3FB5] =	sst s8  }
0x11: {  	[smem:$0x3FB6] =	sst s9;
	s0 =	simm.s32 @!p0 $0x0  }
0x12: {  	s1 =	sld [smem:$0x3F9C];
	s0 =	simm.s32 @p0 $0x1  }
0x13: {  	[smem:$0x3FB7] =	sst s0;
	s0 =	simm.s32 @!p1 $0x0  }
0x14: {  	s2 =	sld [smem:$0x3F9B];
	s0 =	simm.s32 @p1 $0x1  }
0x15: {  	[smem:$0x3FB8] =	sst s0;
	s0 =	simm.s32 @!p2 $0x0  }
0x16: {  	s3 =	sld [smem:$0x3FDB];
	s0 =	simm.s32 @p2 $0x1  }
0x17: {  	s4 =	simm.s32 $0x1BF5;
	[smem:$0x3FBA] =	sst s0  }
0x18: {  	s0 =	sld [smem:$0x3F9D];
	_ =	swait.ge [sflag:s4], $0x0  }
0x19: {  	s7 =	sld [smem:$0x3F9E]  }
0x1a: {  	s8 =	sadd.s32 $0xFFFFE003, lr  }
0x1b: {  	s9 =	sadd.s32 $0xFFFFFEF7, lr;
	s5 =	simm.s32 $0xFFFFFFFF;
	p2 =	slt.u32 s8, $0xFFFFF086  }
0x1c: {  	p1 =	slt.u32 s9, $0xF7A;
	s5 =	simm.s32 @!p2 $0x0  }
0x1d: {  	s5 =	simm.s32 @p1 $0x1;
	p0 =	seq.s32 s7, s2  }
0x1e: {  	s7 =	smul.u32 @!p0 $0xF7A, s2;
	p2 =	seq.s32 @!p0 s5, $0x0  }
0x1f: {  	s9 =	smul.u32 $0xF7A, s1;
	s8 =	simm.s32 @!p0 $0x1BF5;
	p2 =	por !p2, p0  }
0x20: {  	[sflag:s8] =	ssyncset.s32 @!p0 $0xFFFFF086;
	s6 =	sadd.s32 @!p0 s3, s7;
	s7 =	simm.s32 @!p0 $0x108  }
0x21: {  	s3 =	sadd.s32 s3, s9;
	s6 =	sadd.s32 @!p0 $0x88, s6;
	s7 =	simm.s32 @p2 $0x1082  }
0x22: {  	[simem:s7], [sflag:s8] =	dma.local @!p0 [hbm:s6], $0xF7A  }
0x23: {  	s9 =	sor.u32 $0xD0000000, s2;
	s6 =	simm.s32 $0x108;
	_ =	swait.ge @!p0 [sflag:s8], $0x0  }
0x24: {  	s3 =	sadd.s32 $0x88, s3;
	s6 =	simm.s32 @!p1 $0x1082;
	[sflag:s4] =	ssyncset.s32 $0xFFFFF086  }
0x25: {  	[simem:s6], [sflag:s4] =	dma.local [hbm:s3], $0xF7A  }
0x26: {  	[smem:$0x3F9E] =	sst s1;
	(tag) =	ssettag s2;
	_ =	strace s9  }
0x27: {  	s1 =	sld [smem:$0x3FAE]  }
0x28: {  	s2 =	sld [smem:$0x3FAF]  }
0x29: {  	s4 =	sld [smem:$0x3FB1]  }
0x2a: {  	p0 =	seq.s32 s5, $0x0;
	s5 =	sld [smem:$0x3FB2]  }
0x2b: {  	s6 =	sld [smem:$0x3FB3]  }
0x2c: {  	s7 =	sld [smem:$0x3FB4]  }
0x2d: {  	s3 =	simm.s32 $0x108;
	s8 =	sld [smem:$0x3FB5]  }
0x2e: {  	s3 =	simm.s32 @!p0 $0x1082;
	s9 =	sld [smem:$0x3FB6]  }
0x2f: {  	lr =	sadd.s32 s0, s3;
	s0 =	sld [smem:$0x3FAD]  }
0x30: {  	s3 =	sld [smem:$0x3FB0]  }
0x31: {  	[smem:$0x3FB9] =	sst s10  }
0x32: {  	s10 =	sld [smem:$0x3FB7];
	_ =	sdelay $0x3  }
0x33: {  	p0 =	seq.s32 s10, $0x1;
	s10 =	sld [smem:$0x3FB9];
	_ =	sdelay $0x3  }
0x34: {  	[smem:$0x3FB9] =	sst s10  }
0x35: {  	s10 =	sld [smem:$0x3FB8];
	_ =	sdelay $0x3  }
0x36: {  	p1 =	seq.s32 s10, $0x1;
	s10 =	sld [smem:$0x3FB9];
	_ =	sdelay $0x3  }
0x37: {  	[smem:$0x3FB9] =	sst s10  }
0x38: {  	s10 =	sld [smem:$0x3FBA]  }
0x39: {  	_ = 	snop;
	(pc) =	sbr.ind lr, $3  }
0x3a: {  	_ = 	snop  }
0x3b: {  	_ = 	snop  }
0x3c: {  	p2 =	seq.s32 s10, $0x1;
	s10 =	sld [smem:$0x3FB9]  }
0x3d: {  	_ =	shalt  }
0x3e: {  	_ =	shalt  }
0x3f: {  	_ =	shalt  }
0x40: {  	_ =	shalt  }
0x41: {  	_ =	shalt  }
0x42: {  	_ =	shalt  }
0x43: {  	_ =	shalt  }
0x44: {  	_ =	shalt  }
0x45: {  	_ =	shalt  }
0x46: {  	_ =	shalt  }
0x47: {  	_ =	shalt  }
0x48: {  	_ =	shalt  }
0x49: {  	_ =	shalt  }
0x4a: {  	_ =	shalt  }
0x4b: {  	_ =	shalt  }
0x4c: {  	_ =	shalt  }
0x4d: {  	_ =	shalt  }
0x4e: {  	_ =	shalt  }
0x4f: {  	_ =	shalt  }
0x50: {  	_ =	shalt  }
0x51: {  	_ =	shalt  }
0x52: {  	_ =	shalt  }
0x53: {  	_ =	shalt  }
0x54: {  	_ =	shalt  }
0x55: {  	_ =	shalt  }
0x56: {  	_ =	shalt  }
0x57: {  	_ =	shalt  }
0x58: {  	_ =	shalt  }
0x59: {  	_ =	shalt  }
0x5a: {  	_ =	shalt  }
0x5b: {  	_ =	shalt  }
0x5c: {  	_ =	shalt  }
0x5d: {  	_ =	shalt  }
0x5e: {  	_ =	shalt  }
0x5f: {  	_ =	shalt  }
0x60: {  	_ =	shalt  }
0x61: {  	_ =	shalt  }
0x62: {  	_ =	shalt  }
0x63: {  	_ =	shalt  }
0x64: {  	_ =	shalt  }
0x65: {  	_ =	shalt  }
0x66: {  	_ =	shalt  }
0x67: {  	_ =	shalt  }
0x68: {  	_ =	shalt  }
0x69: {  	_ =	shalt  }
0x6a: {  	_ =	shalt  }
0x6b: {  	_ =	shalt  }
0x6c: {  	_ =	shalt  }
0x6d: {  	_ =	shalt  }
0x6e: {  	_ =	shalt  }
0x6f: {  	_ =	shalt  }
0x70: {  	_ =	shalt  }
0x71: {  	_ =	shalt  }
0x72: {  	_ =	shalt  }
0x73: {  	_ =	shalt  }
0x74: {  	_ =	shalt  }
0x75: {  	_ =	shalt  }
0x76: {  	_ =	shalt  }
0x77: {  	_ =	shalt  }
0x78: {  	_ =	shalt  }
0x79: {  	_ =	shalt  }
0x7a: {  	_ =	shalt  }
0x7b: {  	_ =	shalt  }
0x7c: {  	_ =	shalt  }
0x7d: {  	_ =	shalt  }
0x7e: {  	_ =	shalt  }
0x7f: {  	_ =	shalt  }
0x80: {  	_ =	shalt  }
0x81: {  	_ =	shalt  }
0x82: {  	_ =	shalt  }
0x83: {  	_ =	shalt  }
0x84: {  	_ =	shalt  }
0x85: {  	_ =	shalt  }
0x86: {  	_ =	shalt  }
0x87: {  	_ =	shalt  }
.Lfunc_end0:
.L_simem_size_0:
called_computation_lowered:
.L_overlay_start_0:
0x88: {  	s0 =	sld [smem:$0x3FD9]  }
0x89: {  	s1 =	sld [smem:$0x3FFE];
	_ =	sdelay $0x3  }
0x8a: {  	s0 =	sadd.s32 s1, s0  }
0x8b: {  	[smem:$0x3FC5] =	sst s0  }
0x8c: {  	_ = 	snop  }
0x8d: {  	s0 =	sld [smem:$0x3FD0];
	(tm) =	ssettm $0x1  }
0x8e: {  	s16 =	sld [smem:$0x3FFB];
	_ =	sdelay $0x3  }
0x8f: {  	_ =	strace s16  }
0x90: {  	s1 =	sld [smem:$0x3FFC];
	_ =	sdelay $0x3  }
0x91: {  	_ =	strace s1  }
0x92: {  	s1 =	sld [smem:$0x3FFD];
	_ =	sdelay $0x3  }
0x93: {  	_ =	strace s1  }
0x94: {  	_ =	strace $0x8FFFFFFF  }
0x95: {  	s17 =	sld [smem:$0x3FDB];
	_ =	sdelay $0x1  }
0x96: {  	s2 =	simm.s32 $_scs_section_size  }
0x97: {  	s3 =	simm.s32 $_size__tile_overlayer_lowered;
	s4 =	simm.s32 $_tile_overlayer_lowered  }
0x98: {  	s20 =	simm.s32 $0x1BFF;
	s19 =	sshll.u32 s4, $0x1;
	s1 =	sadd.s32 s2, s17  }
0x99: {  	s5 =	simm.s32 $0x0;
	s18 =	sshll.u32 s3, $0x1;
	s3 =	sadd.s32 s19, s1  }
0x9a: {  	[timem:s5], [sflag:s20] =	dma.local [hbm:s3], s18  }
0x9b: {  	_ =	swait.ge [sflag:s20], s18  }
0x9c: {  	s2 =	ssub.s32 $0x0, s18;
	[sflag:s20] =	ssyncset.done $0x0  }
0x9d: {  	[sflag:s20] =	ssyncadd.s32 s2;
	_ =	sdelay $0x1  }
0x9e: {  	s21 =	simm.s32 $0x1B8B  }
0x9f: {  	_ =	swait.ge [sflag:s21], $0x1  }
0xa0: {  	[sflag:s21] =	ssyncset.done $0x0  }
0xa1: {  	s23 =	simm.s32 $0x1B8E;
	s22 =	sld [smem:$0x3FFE];
	[sflag:s21] =	ssyncadd.s32 $0xFFFFFFFF  }
0xa2: {  	s24 =	simm.s32 $execute0_lowered;
	[smem:$0x3FD2] =	sst s23  }
0xa3: {  	s3 =	sshll.u32 s24, $0x1;
	_ =	strace $0x80000046;
	[dreg:$0x1] =	wrdreg $0xFFFFFFFF  }
0xa4: {  	s25 =	simm.s32 $_size_execute0_lowered;
	s1 =	sadd.s32 s1, s3;
	[dreg:$0x0] =	wrdreg $0x0  }
0xa5: {  	s3 =	sshll.u32 s25, $0x1;
	[dreg:$0x2] =	wrdreg s1  }
0xa6: {  	[dreg:$0x3] =	wrdreg s3  }
0xa7: {  	[dreg:$0x4] =	wrdreg $0xC0  }
0xa8: {  	_ =	task [dreg:s5], $0x5FFFF  }
0xa9: {  	[dreg:$0x1] =	wrdreg $0xFFFFFFFF  }
0xaa: {  	[dreg:$0x0] =	wrdreg $0x60  }
0xab: {  	[dreg:$0x2] =	wrdreg s22  }
0xac: {  	[dreg:$0x3] =	wrdreg s0  }
0xad: {  	[dreg:$0x4] =	wrdreg $0x9  }
0xae: {  	_ =	task.clear_ibuf [dreg:s5], $0x5FFFF;
	_ =	strace $0x90000046  }
0xaf: {  	s26 =	simm.s32 $0x9;
	_ =	strace $0x80000048  }
0xb0: {  	_ =	swait.ge [sflag:s26], $0x1  }
0xb1: {  	[sflag:s26] =	ssyncadd.s32 $0xFFFFFFFF  }
0xb2: {  	_ =	strace $0x90000048  }
0xb3: {  	_ =	sfence  }
0xb4: {  	s28 =	sld [smem:$0x0];
	_ =	sdelay $0x1  }
0xb5: {  	s29 =	srdreg.scid  }
0xb6: {  	s30 =	sshll.u32 s29, $0xD;
	s31 =	sshrl.u32 s29, $0x2  }
0xb7: {  	s2 =	sand.u32 $0x4000, s30;
	s1 =	sand.u32 $0x1, s29;
	s0 =	sadd.s32 s31, s28  }
0xb8: {  	s1 =	sor.u32 s2, s1;
	s0 =	sshll.u32 s0, $0x11  }
0xb9: {  	s0 =	sor.u32 s0, s1  }
0xba: {  	s0 =	sadd.s32 $0x8F2B, s0  }
0xbb: {  	[sflag:s0] =	ssyncadd.remote.s32 $0x1  }
0xbc: {  	_ =	sfence.sel $0xFFFF  }
0xbd: {  	[dreg:$0x0] =	wrdreg $0xFFFFFFFF;
	(pc) =	sbr.abs _section_cstart, $3  }
0xbe: {  	[dreg:$0x1] =	wrdreg $0xFFFFFFFF  }
0xbf: {  	_ =	task.clear_ibuf [dreg:s5], $0x2FFFF;
	_ =	strace $0x9FFFFFFF  }
0xc0: {  	(tm) =	ssettm $0x7FFFFFFF  }
0xc1: {  	_ =	shalt  }
tec
execute0_lowered:
.L_overlay_start_1:
0x0: {  	(tag) =	ssettag $0x1  }
0x1: {  	s2 =	rddreg [dreg:$0x0]  }
0x2: {  	s3 =	rddreg [dreg:$0x1]  }
0x3: {  	s0 =	rddreg [dreg:$0x2];
	s4 =	simm.s32 $0x0;
	s1 =	stileid.u32  }
0x4: {  	s10 =	simm.s32 $0x200;
	[smem:$0x7FF] =	sst s4;
	s6 =	sadd.s32 $0x5E00, s2  }
0x5: {  	s8 =	sadd.s32 $0x4400, s2;
	s5 =	smul.u32 $0xC40, s1;
	_ =	strace $0x80000047  }
0x6: {  	[tilespmem:s4], [sflag:$0x1] =	stream.linear.gather [hbm4b:s6+s4], $0x4E20, $0x38;
	[tilespmem:$0xD000] =	vst v63  }
0x7: {  	s7 =	sadd.s32 $0x1200, s2;
	s4 =	sadd.s32 $0x6800, s2;
	s25 =	sshrl.u32 s5, $0x3  }
0x8: {  	v0 =	vimm.f32 $0.0e+00;
	s2 =	sadd.s32 $0x10600, s2;
	s6 =	simm.s32 $0x0;
	s9 =	sadd.s32 s7, s25  }
.LBB2_1:
0x9: {  	p0 =	sne.s32 s10, $0x13A00;
	[tilespmem:s6+$0x4F70] =	vst v0  }
0xa: {  	[tilespmem:s6+$0x4F00] =	vst v0  }
0xb: {  	[tilespmem:s6+$0x4F10] =	vst v0  }
.Ltmp0:
0xc: {  	[tilespmem:s6+$0x4F20] =	vst v0;
	(pc) =	sbr.rel @p0 .LBB2_1-.Ltmp0, $4  }
0xd: {  	[tilespmem:s6+$0x4F30] =	vst v0  }
0xe: {  	[tilespmem:s6+$0x4F40] =	vst v0  }
0xf: {  	[tilespmem:s6+$0x4F50] =	vst v0  }
0x10: {  	[tilespmem:s6+$0x4F60] =	vst v0;
	s6 =	sshra.s32 s10, $0x2;
	s10 =	sadd.s32 $0x200, s10  }
0x11: {  	[tilespmem:s6+$0x4F70] =	vst v0  }
0x12: {  	[tilespmem:s6+$0x4F00] =	vst v0  }
0x13: {  	[tilespmem:s6+$0x4F10] =	vst v0  }
0x14: {  	[tilespmem:s6+$0x4F20] =	vst v0  }
0x15: {  	[tilespmem:s6+$0x4F30] =	vst v0  }
0x16: {  	[tilespmem:s6+$0x4F40] =	vst v0  }
0x17: {  	[tilespmem:s6+$0x4F50] =	vst v0  }
0x18: {  	[tilespmem:s6+$0x4F60] =	vst v0;
	s6 =	simm.s32 $0x0;
	s10 =	simm.s32 $0x9E00;
	s24 =	simm.s32 $0x2  }
0x19: {  	[tilespmem:s10], [sflag:$0x2] =	stream.linear.gather [hbm4b:s9+s6], $0xC40, $0x38;
	[tilespmem:$0xD000] =	vst v63  }
0x1a: {  	p0 =	seq.s32 s1, $0xF;
	_ =	swait.ge [sflag:s24], $0xC40  }
0x1b: {  	s9 =	sadd.s32 @p0 $0x2F62, s7;
	[sflag:s24] =	ssyncset.done $0x0  }
0x1c: {  	s10 =	simm.s32 @p0 $0x0;
	s11 =	simm.s32 @p0 $0xAA80;
	[sflag:s24] =	ssyncadd.s32 $0xFFFFF3C0  }
0x1d: {  	[tilespmem:s11], [sflag:$0x2] =	stream.linear.gather @p0 [hbm4b:s9+s10], $0xB90, $0x38;
	[tilespmem:$0xD000] =	vst v63  }
0x1e: {  	s9 =	simm.s32 @p0 $0x2  }
0x1f: {  	_ =	swait.ge @p0 [sflag:s9], $0xB90  }
0x20: {  	[sflag:s9] =	ssyncset.done @p0 $0x0  }
0x21: {  	s8 =	sadd.s32 s8, s25;
	s11 =	simm.s32 @p0 $0xB700;
	[sflag:s9] =	ssyncadd.s32 @p0 $0xFFFFF470  }
0x22: {  	[tilespmem:s11], [sflag:$0x2] =	stream.linear.gather @p0 [hbm4b:s8+s10], $0xB90, $0x38;
	[tilespmem:$0xD000] =	vst v63  }
0x23: {  	_ =	swait.ge @p0 [sflag:s9], $0xB90  }
0x24: {  	[sflag:s9] =	ssyncset.done @p0 $0x0  }
0x25: {  	v0 =	vimm.s32 @p0 $0x0;
	[sflag:s9] =	ssyncadd.s32 @p0 $0xFFFFF470  }
0x26: {  	[tilespmem:$0xB610] =	vst @p0 v0  }
0x27: {  	[tilespmem:$0xB620] =	vst @p0 v0  }
0x28: {  	[tilespmem:$0xB630] =	vst @p0 v0  }
0x29: {  	[tilespmem:$0xB640] =	vst @p0 v0  }
0x2a: {  	[tilespmem:$0xB650] =	vst @p0 v0  }
0x2b: {  	[tilespmem:$0xB660] =	vst @p0 v0  }
0x2c: {  	[tilespmem:$0xB670] =	vst @p0 v0  }
0x2d: {  	[tilespmem:$0xB680] =	vst @p0 v0  }
0x2e: {  	s9 =	sshrl.u32 @!p0 s5, $0x3;
	[tilespmem:$0xB690] =	vst @p0 v0  }
0x2f: {  	[tilespmem:$0xB6A0] =	vst @p0 v0;
	s7 =	sadd.s32 @!p0 s7, s9  }
0x30: {  	s10 =	simm.s32 @!p0 $0xAA80;
	[tilespmem:$0xB6B0] =	vst @p0 v0;
	s9 =	simm.s32 @!p0 $0x0;
	s7 =	sadd.s32 @!p0 $0x186A, s7  }
0x31: {  	[tilespmem:s10], [sflag:$0x2] =	stream.linear.gather @!p0 [hbm4b:s7+s9], $0xC40, $0x38;
	[tilespmem:$0xD000] =	vst v63  }
0x32: {  	s7 =	simm.s32 @!p0 $0x2  }
0x33: {  	_ =	swait.ge @!p0 [sflag:s7], $0xC40  }
0x34: {  	[sflag:s7] =	ssyncset.done @!p0 $0x0  }
0x35: {  	s10 =	simm.s32 @!p0 $0xB700;
	[sflag:s7] =	ssyncadd.s32 @!p0 $0xFFFFF3C0  }
0x36: {  	[tilespmem:s10], [sflag:$0x2] =	stream.linear.gather @!p0 [hbm4b:s8+s9], $0xC40, $0x38;
	[tilespmem:$0xD000] =	vst v63  }
0x37: {  	_ =	swait.ge @!p0 [sflag:s7], $0xC40  }
0x38: {  	[sflag:s7] =	ssyncset.done @!p0 $0x0  }
0x39: {  	s26 =	simm.s32 $0x1;
	[sflag:s7] =	ssyncadd.s32 @!p0 $0xFFFFF3C0  }
0x3a: {  	_ =	swait.ge [sflag:s26], $0x4E20  }
0x3b: {  	[sflag:s26] =	ssyncset.done $0x0  }
0x3c: {  	s28 =	simm.s32 $0x0;
	[sflag:s26] =	ssyncadd.s32 $0xFFFFB1E0  }
0x3d: {  	v1 =	vld [tilespmem:s28+$0x9E00]  }
0x3e: {  	v2 =	vld [tilespmem:s28+$0xAA80];
	_ =	sdelay $0x5  }
0x3f: {  	v0 =	vld [tilespmem:s28+$0xB700]  }
0x40: {  	v3 =	vld.idx.msk [tilespmem:v1+s6+$0x0], $0xffff  }
0x41: {  	v4 =	vld.idx.msk [tilespmem:v2+s6+$0x0], $0xffff;
	_ =	sdelay $0x4  }
0x42: {  	v3 =	vsub.f32 v3, v0;
	v4 =	vsub.f32 v4, v0;
	_ =	sdelay $0x1  }
0x43: {  	v0 =	vtrunc.f32 v3;
	v5 =	vtrunc.f32 v4  }
0x44: {  	v0 =	vcvt.f32.s32 v0;
	v5 =	vcvt.f32.s32 v5;
	_ =	sdelay $0x1  }
0x45: {  	v6 =	vcvt.s32.f32 v0;
	v5 =	vcvt.s32.f32 v5;
	_ =	sdelay $0x1  }
0x46: {  	v0 =	vimm.f32 $0.0e+00;
	vm0 =	vlt.f32 v3, v6;
	vm1 =	vlt.f32 v4, v5  }
0x47: {  	v7 =	vsel vm0, $0x3F800000, v0;
	v8 =	vsel vm1, $0x3F800000, v0  }
0x48: {  	v6 =	vsub.f32 v6, v7;
	v5 =	vsub.f32 v5, v8  }
0x49: {  	v4 =	vadd.f32 $2.000000000e+00, v4;
	v3 =	vadd.f32 $2.000000000e+00, v3  }
0x4a: {  	v6 =	vadd.f32 $1.000000000e+00, v6;
	v5 =	vadd.f32 $1.000000000e+00, v5;
	_ =	sdelay $0x1  }
0x4b: {  	v3 =	vmul.f32 v4, v3;
	v4 =	vmul.f32 v5, v6;
	_ =	sdelay $0x1  }
0x4c: {  	v3 =	vmul.f32 v4, v3  }
0x4d: {  	p1 =	slt.u32 s5, $0xC350  }
0x4e: {  	v3 =	vpsel !p1, $0x0, v3  }
0x4f: {  	(xrf1) =	vsort.ascd.msk.f32 $0xffff, v3, v1;
	_ =	sdelay $0x6  }
0x50: {  	(xrf1) =	vsort.ascd.msk.f32 $0xffff, v3, v2;
	_ =	sdelay $0x6  }
0x51: {  	v1, v2, _ =	vpop (xrf1)  }
0x52: {  	(xrf1) =	vunique.msk.u32 $0xffff, v2;
	_ =	sdelay $0x5  }
0x53: {  	v4, v5, _ =	vpop (xrf1)  }
0x54: {  	(xrf1) =	vunique.msk.u32 $0xffff, v5;
	_ =	sdelay $0x5  }
0x55: {  	s7 =	simm.s32 $0x4F00;
	[tilespmem:s28+$0xC380] =	vst v3  }
0x56: {  	v3 =	vld.idx.msk [tilespmem:v2+s7+$0x0], $0xffff;
	_, v60, vm0 =	vpop (xrf1);
	_ =	sdelay $0x4  }
0x57: {  	v1 =	vmax.f32 v3, v1  }
0x58: {  	[tilespmem:v2+s7+$0x0] =	vst.idx.msk vm0, v1  }
0x59: {  	_, v2, vm0 =	vpop (xrf1);
	v1 =	vld.idx.msk [tilespmem:v5+s7+$0x0], $0xffff;
	_ =	sdelay $0x4  }
0x5a: {  	v1 =	vmax.f32 v1, v4  }
0x5b: {  	[tilespmem:v5+s7+$0x0] =	vst.idx.msk vm0, v1  }
0x5c: {  	v1 =	vld [tilespmem:s28+$0x9E10]  }
0x5d: {  	v2 =	vld [tilespmem:s28+$0xAA90];
	_ =	sdelay $0x5  }
0x5e: {  	v3 =	vld [tilespmem:s28+$0xB710]  }
0x5f: {  	v4 =	vld.idx.msk [tilespmem:v1+s6+$0x0], $0xffff  }
0x60: {  	v5 =	vld.idx.msk [tilespmem:v2+s6+$0x0], $0xffff;
	_ =	sdelay $0x4  }
0x61: {  	v4 =	vsub.f32 v4, v3;
	v3 =	vsub.f32 v5, v3;
	_ =	sdelay $0x1  }
0x62: {  	v5 =	vtrunc.f32 v4;
	v6 =	vtrunc.f32 v3  }
0x63: {  	v5 =	vcvt.f32.s32 v5;
	v6 =	vcvt.f32.s32 v6;
	_ =	sdelay $0x1  }
0x64: {  	v5 =	vcvt.s32.f32 v5;
	v6 =	vcvt.s32.f32 v6;
	_ =	sdelay $0x1  }
0x65: {  	vm0 =	vlt.f32 v4, v5;
	vm1 =	vlt.f32 v3, v6  }
0x66: {  	v61 =	vsel vm0, $0x3F800000, v0;
	v62 =	vsel vm1, $0x3F800000, v0  }
0x67: {  	v5 =	vsub.f32 v5, v61;
	v6 =	vsub.f32 v6, v62  }
0x68: {  	v3 =	vadd.f32 $2.000000000e+00, v3;
	v4 =	vadd.f32 $2.000000000e+00, v4  }
0x69: {  	v5 =	vadd.f32 $1.000000000e+00, v5;
	v6 =	vadd.f32 $1.000000000e+00, v6;
	_ =	sdelay $0x1  }
0x6a: {  	v3 =	vmul.f32 v3, v4;
	v4 =	vmul.f32 v6, v5;
	_ =	sdelay $0x1  }
0x6b: {  	s29 =	sadd.s32 $0x10, s5;
	v3 =	vmul.f32 v4, v3  }
0x6c: {  	p6 =	slt.u32 s29, $0xC350  }
0x6d: {  	v3 =	vpsel !p6, $0x0, v3  }
0x6e: {  	(xrf1) =	vsort.ascd.msk.f32 $0xffff, v3, v1;
	_ =	sdelay $0x5  }
0x6f: {  	(xrf1) =	vsort.ascd.msk.f32 $0xffff, v3, v2;
	_ =	sdelay $0x7  }
0x70: {  	v4, v5, _ =	vpop (xrf1)  }
0x71: {  	(xrf1) =	vunique.msk.u32 $0xffff, v5;
	_ =	sdelay $0x4  }
0x72: {  	v2, v1, _ =	vpop (xrf1)  }
0x73: {  	(xrf1) =	vunique.msk.u32 $0xffff, v1;
	_ =	sdelay $0x3  }
0x74: {  	[tilespmem:s28+$0xC390] =	vst v3  }
0x75: {  	v3 =	vld.idx.msk [tilespmem:v5+s7+$0x0], $0xffff;
	_ =	sdelay $0x1  }
0x76: {  	s30 =	smul.u32 $0x4F0, s1  }
0x77: {  	s31 =	smul.u32 $0x9E0, s1;
	_, v63, vm0 =	vpop (xrf1)  }
0x78: {  	s3 =	sadd.s32 s3, s25;
	s25 =	simm.s32 $0x80;
	s26 =	sshrl.u32 s30, $0x3  }
0x79: {  	s24 =	sadd.s32 s4, s31;
	s23 =	sadd.s32 s4, s26;
	s4 =	sadd.s32 s2, s26;
	v3 =	vmax.f32 v3, v4  }
0x7a: {  	s22 =	sadd.s32 $0x9E0, s23;
	s21 =	sadd.s32 $0x13C0, s23;
	s20 =	sadd.s32 $0x1DA0, s23  }
0x7b: {  	s19 =	sadd.s32 $0x2780, s23;
	s18 =	sadd.s32 $0x3160, s23;
	s17 =	sadd.s32 $0x3B40, s23  }
0x7c: {  	s16 =	sadd.s32 $0x4520, s23;
	s15 =	sadd.s32 $0x4F00, s23;
	s14 =	sadd.s32 $0x58E0, s23  }
0x7d: {  	s13 =	sadd.s32 $0x62C0, s23;
	s12 =	sadd.s32 $0x6CA0, s23;
	s10 =	sadd.s32 $0x7680, s23;
	[tilespmem:v5+s7+$0x0] =	vst.idx.msk vm0, v3;
	_, v3, vm0 =	vpop (xrf1)  }
0x7e: {  	s11 =	sadd.s32 $0x8060, s23;
	s9 =	sadd.s32 $0x8A40, s23;
	s8 =	sadd.s32 $0x9420, s23;
	v3 =	vld.idx.msk [tilespmem:v1+s7+$0x0], $0xffff  }
.LBB2_3:
0x7f: {  	_ =	sdelay $0x1  }
0x80: {  	p1 =	sne.s32 s25, $0x3080  }
0x81: {  	s5 =	sadd.s32 $0x20, s5;
	s26 =	smov.u32 s25;
	s25 =	sadd.s32 $0x80, s25  }
0x82: {  	v2 =	vmax.f32 v3, v2  }
0x83: {  	s26 =	sshra.s32 s26, $0x2;
	[tilespmem:v1+s7+$0x0] =	vst.idx.msk vm0, v2  }
0x84: {  	v1 =	vld [tilespmem:s26+$0x9E00]  }
0x85: {  	v2 =	vld [tilespmem:s26+$0xAA80];
	_ =	sdelay $0x5  }
0x86: {  	v3 =	vld [tilespmem:s26+$0xB700]  }
0x87: {  	v4 =	vld.idx.msk [tilespmem:v1+s6+$0x0], $0xffff  }
0x88: {  	v5 =	vld.idx.msk [tilespmem:v2+s6+$0x0], $0xffff;
	_ =	sdelay $0x4  }
0x89: {  	v4 =	vsub.f32 v4, v3  }
0x8a: {  	v3 =	vsub.f32 v5, v3  }
0x8b: {  	v5 =	vtrunc.f32 v4  }
0x8c: {  	v5 =	vcvt.f32.s32 v5;
	v6 =	vtrunc.f32 v3;
	v7 =	vadd.f32 $2.000000000e+00, v3  }
0x8d: {  	v6 =	vcvt.f32.s32 v6  }
0x8e: {  	v5 =	vcvt.s32.f32 v5  }
0x8f: {  	v6 =	vcvt.s32.f32 v6  }
0x90: {  	vm0 =	vlt.f32 v4, v5  }
0x91: {  	v8 =	vsel vm0, $0x3F800000, v0;
	vm0 =	vlt.f32 v3, v6  }
0x92: {  	v3 =	vsub.f32 v5, v8;
	v5 =	vsel vm0, $0x3F800000, v0  }
0x93: {  	v5 =	vsub.f32 v6, v5  }
0x94: {  	v4 =	vadd.f32 $2.000000000e+00, v4;
	v3 =	vadd.f32 $1.000000000e+00, v3  }
0x95: {  	v5 =	vadd.f32 $1.000000000e+00, v5  }
0x96: {  	v4 =	vmul.f32 v7, v4  }
0x97: {  	v3 =	vmul.f32 v5, v3;
	_ =	sdelay $0x1  }
0x98: {  	p2 =	slt.u32 s5, $0xC350;
	v3 =	vmul.f32 v3, v4;
	_ =	sdelay $0x1  }
0x99: {  	v3 =	vpsel !p2, $0x0, v3  }
0x9a: {  	(xrf1) =	vsort.ascd.msk.f32 $0xffff, v3, v1;
	_ =	sdelay $0x6  }
0x9b: {  	(xrf1) =	vsort.ascd.msk.f32 $0xffff, v3, v2;
	_ =	sdelay $0x6  }
0x9c: {  	v1, v2, _ =	vpop (xrf1)  }
0x9d: {  	(xrf1) =	vunique.msk.u32 $0xffff, v2;
	_ =	sdelay $0x5  }
0x9e: {  	v4, v5, _ =	vpop (xrf1)  }
0x9f: {  	(xrf1) =	vunique.msk.u32 $0xffff, v5;
	_ =	sdelay $0x3  }
0xa0: {  	[tilespmem:s26+$0xC380] =	vst v3  }
0xa1: {  	v3 =	vld.idx.msk [tilespmem:v2+s7+$0x0], $0xffff;
	_ =	sdelay $0x1  }
0xa2: {  	_, v6, vm0 =	vpop (xrf1);
	_ =	sdelay $0x3  }
0xa3: {  	v1 =	vmax.f32 v3, v1;
	_ =	sdelay $0x1  }
0xa4: {  	[tilespmem:v2+s7+$0x0] =	vst.idx.msk vm0, v1  }
0xa5: {  	v1 =	vld.idx.msk [tilespmem:v5+s7+$0x0], $0xffff;
	_, v2, vm0 =	vpop (xrf1);
	_ =	sdelay $0x5  }
0xa6: {  	v1 =	vmax.f32 v1, v4  }
0xa7: {  	[tilespmem:v5+s7+$0x0] =	vst.idx.msk vm0, v1  }
0xa8: {  	v1 =	vld [tilespmem:s26+$0x9E10]  }
0xa9: {  	v2 =	vld [tilespmem:s26+$0xAA90];
	_ =	sdelay $0x5  }
0xaa: {  	v3 =	vld [tilespmem:s26+$0xB710]  }
0xab: {  	v4 =	vld.idx.msk [tilespmem:v1+s6+$0x0], $0xffff  }
0xac: {  	v5 =	vld.idx.msk [tilespmem:v2+s6+$0x0], $0xffff;
	_ =	sdelay $0x4  }
0xad: {  	v4 =	vsub.f32 v4, v3  }
0xae: {  	v3 =	vsub.f32 v5, v3  }
0xaf: {  	v5 =	vtrunc.f32 v4  }
0xb0: {  	v5 =	vcvt.f32.s32 v5;
	v6 =	vtrunc.f32 v3;
	v7 =	vadd.f32 $2.000000000e+00, v3  }
0xb1: {  	v6 =	vcvt.f32.s32 v6  }
0xb2: {  	v5 =	vcvt.s32.f32 v5  }
0xb3: {  	v6 =	vcvt.s32.f32 v6  }
0xb4: {  	vm0 =	vlt.f32 v4, v5  }
0xb5: {  	v8 =	vsel vm0, $0x3F800000, v0;
	vm0 =	vlt.f32 v3, v6  }
0xb6: {  	v3 =	vsub.f32 v5, v8;
	v5 =	vsel vm0, $0x3F800000, v0  }
0xb7: {  	v4 =	vadd.f32 $2.000000000e+00, v4;
	v5 =	vsub.f32 v6, v5  }
0xb8: {  	v3 =	vadd.f32 $1.000000000e+00, v3  }
0xb9: {  	v4 =	vmul.f32 v7, v4;
	v5 =	vadd.f32 $1.000000000e+00, v5;
	_ =	sdelay $0x1  }
0xba: {  	s28 =	sadd.s32 $0x10, s5;
	v3 =	vmul.f32 v5, v3  }
0xbb: {  	p2 =	slt.u32 s28, $0xC350  }
0xbc: {  	v3 =	vmul.f32 v3, v4;
	_ =	sdelay $0x1  }
0xbd: {  	v3 =	vpsel !p2, $0x0, v3  }
0xbe: {  	[tilespmem:s26+$0xC390] =	vst v3;
	(xrf1) =	vsort.ascd.msk.f32 $0xffff, v3, v1;
	_ =	sdelay $0x5  }
0xbf: {  	(xrf1) =	vsort.ascd.msk.f32 $0xffff, v3, v2;
	_ =	sdelay $0x7  }
0xc0: {  	v3, v4, _ =	vpop (xrf1)  }
0xc1: {  	(xrf1) =	vunique.msk.u32 $0xffff, v4;
	_ =	sdelay $0x3  }
0xc2: {  	v5 =	vld.idx.msk [tilespmem:v4+s7+$0x0], $0xffff  }
0xc3: {  	v2, v1, _ =	vpop (xrf1)  }
0xc4: {  	(xrf1) =	vunique.msk.u32 $0xffff, v1;
	_ =	sdelay $0x3  }
0xc5: {  	v3 =	vmax.f32 v5, v3;
	_ =	sdelay $0x3  }
0xc6: {  	_, v5, vm0 =	vpop (xrf1);
	_ =	sdelay $0x2  }
.Ltmp1:
0xc7: {  	(pc) =	sbr.rel @p1 .LBB2_3-.Ltmp1, $3  }
0xc8: {  	_ =	sdelay $0x1  }
0xc9: {  	[tilespmem:v4+s7+$0x0] =	vst.idx.msk vm0, v3;
	_, v3, vm0 =	vpop (xrf1)  }
0xca: {  	v3 =	vld.idx.msk [tilespmem:v1+s7+$0x0], $0xffff  }
0xcb: {  	_ =	sdelay $0x3  }
0xcc: {  	v0 =	vmax.f32 v3, v2  }
0xcd: {  	s5 =	simm.s32 $0x0;
	s6 =	simm.s32 $0x4F00;
	s26 =	simm.s32 $0x2;
	[tilespmem:v1+s7+$0x0] =	vst.idx.msk vm0, v0  }
0xce: {  	[hbm4b:s24+s5] =	stream.linear.scatter [tilespmem:s6], [sflag:$0x2], $0x4F00, $0x38;
	[tilespmem:$0xD000] =	vst v63  }
0xcf: {  	_ =	swait.ge [sflag:s26], $0x4F00  }
0xd0: {  	[sflag:s26] =	ssyncset.done $0x0  }
0xd1: {  	[sflag:s26] =	ssyncadd.s32 $0xFFFFB100  }
0xd2: {  	[bflag:$0x0] =	sbarrier.arrive $0xFFFF  }
0xd3: {  	[tilespmem:s5], [sflag:$0x1] =	stream.linear.gather [hbm4b:s23+s5], $0x4F0, $0x38;
	[tilespmem:$0xD000] =	vst v63  }
0xd4: {  	s28 =	simm.s32 $0x4F0  }
0xd5: {  	[tilespmem:s28], [sflag:$0x1] =	stream.linear.gather [hbm4b:s22+s5], $0x4F0, $0x38;
	[tilespmem:$0xD000] =	vst v63  }
0xd6: {  	s29 =	simm.s32 $0x9E0  }
0xd7: {  	[tilespmem:s29], [sflag:$0x1] =	stream.linear.gather [hbm4b:s21+s5], $0x4F0, $0x38;
	[tilespmem:$0xD000] =	vst v63  }
0xd8: {  	s30 =	simm.s32 $0xED0  }
0xd9: {  	[tilespmem:s30], [sflag:$0x1] =	stream.linear.gather [hbm4b:s20+s5], $0x4F0, $0x38;
	[tilespmem:$0xD000] =	vst v63  }
0xda: {  	s31 =	simm.s32 $0x13C0  }
0xdb: {  	[tilespmem:s31], [sflag:$0x1] =	stream.linear.gather [hbm4b:s19+s5], $0x4F0, $0x38;
	[tilespmem:$0xD000] =	vst v63  }
0xdc: {  	s7 =	simm.s32 $0x18B0  }
0xdd: {  	[tilespmem:s7], [sflag:$0x1] =	stream.linear.gather [hbm4b:s18+s5], $0x4F0, $0x38;
	[tilespmem:$0xD000] =	vst v63  }
0xde: {  	s19 =	simm.s32 $0x1DA0  }
0xdf: {  	[tilespmem:s19], [sflag:$0x1] =	stream.linear.gather [hbm4b:s17+s5], $0x4F0, $0x38;
	[tilespmem:$0xD000] =	vst v63  }
0xe0: {  	s20 =	simm.s32 $0x2290  }
0xe1: {  	[tilespmem:s20], [sflag:$0x1] =	stream.linear.gather [hbm4b:s16+s5], $0x4F0, $0x38;
	[tilespmem:$0xD000] =	vst v63  }
0xe2: {  	s21 =	simm.s32 $0x2780  }
0xe3: {  	[tilespmem:s21], [sflag:$0x1] =	stream.linear.gather [hbm4b:s15+s5], $0x4F0, $0x38;
	[tilespmem:$0xD000] =	vst v63  }
0xe4: {  	s22 =	simm.s32 $0x2C70  }
0xe5: {  	[tilespmem:s22], [sflag:$0x1] =	stream.linear.gather [hbm4b:s14+s5], $0x4F0, $0x38;
	[tilespmem:$0xD000] =	vst v63  }
0xe6: {  	s23 =	simm.s32 $0x3160  }
0xe7: {  	[tilespmem:s23], [sflag:$0x1] =	stream.linear.gather [hbm4b:s13+s5], $0x4F0, $0x38;
	[tilespmem:$0xD000] =	vst v63  }
0xe8: {  	s24 =	simm.s32 $0x3650  }
0xe9: {  	[tilespmem:s24], [sflag:$0x1] =	stream.linear.gather [hbm4b:s12+s5], $0x4F0, $0x38;
	[tilespmem:$0xD000] =	vst v63  }
0xea: {  	s25 =	simm.s32 $0x3B40  }
0xeb: {  	[tilespmem:s25], [sflag:$0x1] =	stream.linear.gather [hbm4b:s10+s5], $0x4F0, $0x38;
	[tilespmem:$0xD000] =	vst v63  }
0xec: {  	s26 =	simm.s32 $0x4030  }
0xed: {  	[tilespmem:s26], [sflag:$0x1] =	stream.linear.gather [hbm4b:s11+s5], $0x4F0, $0x38;
	[tilespmem:$0xD000] =	vst v63  }
0xee: {  	s28 =	simm.s32 $0x4520  }
0xef: {  	[tilespmem:s28], [sflag:$0x1] =	stream.linear.gather [hbm4b:s9+s5], $0x4F0, $0x38;
	[tilespmem:$0xD000] =	vst v63  }
0xf0: {  	s29 =	simm.s32 $0x4A10;
	s30 =	simm.s32 $0x1  }
0xf1: {  	[tilespmem:s29], [sflag:$0x1] =	stream.linear.gather [hbm4b:s8+s5], $0x4F0, $0x38;
	[tilespmem:$0xD000] =	vst v63  }
0xf2: {  	_ =	swait.ge [sflag:s30], $0x4F0  }
0xf3: {  	[sflag:s30] =	ssyncset.done $0x0  }
0xf4: {  	[sflag:s30] =	ssyncadd.s32 $0xFFFFFB10  }
0xf5: {  	_ =	swait.ge [sflag:s30], $0x4F0  }
0xf6: {  	[sflag:s30] =	ssyncset.done $0x0  }
0xf7: {  	[sflag:s30] =	ssyncadd.s32 $0xFFFFFB10  }
0xf8: {  	_ =	swait.ge [sflag:s30], $0x4F0  }
0xf9: {  	[sflag:s30] =	ssyncset.done $0x0  }
0xfa: {  	[sflag:s30] =	ssyncadd.s32 $0xFFFFFB10  }
0xfb: {  	_ =	swait.ge [sflag:s30], $0x4F0  }
0xfc: {  	[sflag:s30] =	ssyncset.done $0x0  }
0xfd: {  	[sflag:s30] =	ssyncadd.s32 $0xFFFFFB10  }
0xfe: {  	_ =	swait.ge [sflag:s30], $0x4F0  }
0xff: {  	[sflag:s30] =	ssyncset.done $0x0  }
0x100: {  	[sflag:s30] =	ssyncadd.s32 $0xFFFFFB10  }
0x101: {  	_ =	swait.ge [sflag:s30], $0x4F0  }
0x102: {  	[sflag:s30] =	ssyncset.done $0x0  }
0x103: {  	[sflag:s30] =	ssyncadd.s32 $0xFFFFFB10  }
0x104: {  	_ =	swait.ge [sflag:s30], $0x4F0  }
0x105: {  	[sflag:s30] =	ssyncset.done $0x0  }
0x106: {  	[sflag:s30] =	ssyncadd.s32 $0xFFFFFB10  }
0x107: {  	_ =	swait.ge [sflag:s30], $0x4F0  }
0x108: {  	[sflag:s30] =	ssyncset.done $0x0  }
0x109: {  	[sflag:s30] =	ssyncadd.s32 $0xFFFFFB10  }
0x10a: {  	_ =	swait.ge [sflag:s30], $0x4F0  }
0x10b: {  	[sflag:s30] =	ssyncset.done $0x0  }
0x10c: {  	[sflag:s30] =	ssyncadd.s32 $0xFFFFFB10  }
0x10d: {  	_ =	swait.ge [sflag:s30], $0x4F0  }
0x10e: {  	[sflag:s30] =	ssyncset.done $0x0  }
0x10f: {  	[sflag:s30] =	ssyncadd.s32 $0xFFFFFB10  }
0x110: {  	_ =	swait.ge [sflag:s30], $0x4F0  }
0x111: {  	[sflag:s30] =	ssyncset.done $0x0  }
0x112: {  	[sflag:s30] =	ssyncadd.s32 $0xFFFFFB10  }
0x113: {  	_ =	swait.ge [sflag:s30], $0x4F0  }
0x114: {  	[sflag:s30] =	ssyncset.done $0x0  }
0x115: {  	[sflag:s30] =	ssyncadd.s32 $0xFFFFFB10  }
0x116: {  	_ =	swait.ge [sflag:s30], $0x4F0  }
0x117: {  	[sflag:s30] =	ssyncset.done $0x0  }
0x118: {  	[sflag:s30] =	ssyncadd.s32 $0xFFFFFB10  }
0x119: {  	_ =	swait.ge [sflag:s30], $0x4F0  }
0x11a: {  	[sflag:s30] =	ssyncset.done $0x0  }
0x11b: {  	[sflag:s30] =	ssyncadd.s32 $0xFFFFFB10  }
0x11c: {  	_ =	swait.ge [sflag:s30], $0x4F0  }
0x11d: {  	[sflag:s30] =	ssyncset.done $0x0  }
0x11e: {  	[sflag:s30] =	ssyncadd.s32 $0xFFFFFB10  }
0x11f: {  	_ =	swait.ge [sflag:s30], $0x4F0  }
0x120: {  	[sflag:s30] =	ssyncset.done $0x0  }
0x121: {  	s6 =	simm.s32 $0x0;
	[sflag:s30] =	ssyncadd.s32 $0xFFFFFB10  }
0x122: {  	v0 =	vld [tilespmem:s6+$0x0]  }
0x123: {  	v1 =	vld [tilespmem:s6+$0x4F0]  }
0x124: {  	v2 =	vld [tilespmem:s6+$0x9E0]  }
0x125: {  	v3 =	vld [tilespmem:s6+$0xED0]  }
0x126: {  	v4 =	vld [tilespmem:s6+$0x13C0]  }
0x127: {  	v5 =	vld [tilespmem:s6+$0x18B0]  }
0x128: {  	v0 =	vmax.f32 v0, v1;
	v1 =	vld [tilespmem:s6+$0x1DA0]  }
0x129: {  	s31 =	sand.u32 $0x7F0, s5;
	v0 =	vmax.f32 v0, v2;
	v2 =	vld [tilespmem:s6+$0x2290]  }
0x12a: {  	v0 =	vmax.f32 v0, v3;
	v3 =	vld [tilespmem:s31+$0x2780]  }
0x12b: {  	v0 =	vmax.f32 v0, v4;
	v4 =	vld [tilespmem:s6+$0x2C70]  }
0x12c: {  	v0 =	vmax.f32 v0, v5;
	v5 =	vld [tilespmem:s6+$0x3160]  }
0x12d: {  	v6 =	vld [tilespmem:s6+$0x3650];
	v0 =	vmax.f32 v0, v1  }
0x12e: {  	v1 =	vld [tilespmem:s6+$0x3B40];
	v0 =	vmax.f32 v0, v2  }
0x12f: {  	v2 =	vld [tilespmem:s6+$0x4030];
	v0 =	vmax.f32 v0, v3  }
0x130: {  	v3 =	vld [tilespmem:s6+$0x4520];
	v0 =	vmax.f32 v0, v4  }
0x131: {  	s7 =	simm.s32 $0x10;
	v4 =	vld [tilespmem:s6+$0x4A10];
	v5 =	vmax.f32 v0, v5  }
0x132: {  	s8 =	simm.s32 $0x80;
	v0 =	vld [tilespmem:s7+$0x0];
	v5 =	vmax.f32 v5, v6  }
.LBB2_5:
0x133: {  	p1 =	sne.s32 s8, $0x1380;
	v6 =	vld [tilespmem:s7+$0x4F0];
	v1 =	vmax.f32 v5, v1  }
0x134: {  	v5 =	vld [tilespmem:s7+$0x9E0];
	v1 =	vmax.f32 v1, v2  }
0x135: {  	v2 =	vld [tilespmem:s7+$0xED0];
	v1 =	vmax.f32 v1, v3  }
0x136: {  	v3 =	vld [tilespmem:s7+$0x13C0];
	v1 =	vmax.f32 v1, v4  }
0x137: {  	v4 =	vld [tilespmem:s7+$0x18B0];
	[tilespmem:s6+$0x4F00] =	vst v1;
	s6 =	smov.u32 s7  }
0x138: {  	s5 =	sadd.s32 $0x10, s5;
	v0 =	vmax.f32 v0, v6;
	v1 =	vld [tilespmem:s6+$0x1DA0]  }
0x139: {  	s7 =	sand.u32 $0x7F0, s5;
	v0 =	vmax.f32 v0, v5;
	v5 =	vld [tilespmem:s6+$0x2290]  }
0x13a: {  	v0 =	vmax.f32 v0, v2;
	v2 =	vld [tilespmem:s7+$0x2780]  }
0x13b: {  	v0 =	vmax.f32 v0, v3;
	v3 =	vld [tilespmem:s6+$0x2C70]  }
0x13c: {  	v0 =	vmax.f32 v0, v4;
	v4 =	vld [tilespmem:s6+$0x3160]  }
0x13d: {  	v0 =	vmax.f32 v0, v1;
	v6 =	vld [tilespmem:s6+$0x3650]  }
.Ltmp2:
0x13e: {  	v0 =	vmax.f32 v0, v5;
	v1 =	vld [tilespmem:s6+$0x3B40];
	(pc) =	sbr.rel @p1 .LBB2_5-.Ltmp2, $4  }
0x13f: {  	v0 =	vmax.f32 v0, v2;
	v2 =	vld [tilespmem:s6+$0x4030]  }
0x140: {  	v0 =	vmax.f32 v0, v3;
	v3 =	vld [tilespmem:s6+$0x4520]  }
0x141: {  	s7 =	sshra.s32 s8, $0x2;
	v5 =	vmax.f32 v0, v4;
	v4 =	vld [tilespmem:s6+$0x4A10]  }
0x142: {  	s8 =	sadd.s32 $0x40, s8;
	v0 =	vld [tilespmem:s7+$0x0];
	v5 =	vmax.f32 v5, v6  }
0x143: {  	v6 =	vld [tilespmem:s7+$0x4F0];
	v1 =	vmax.f32 v5, v1  }
0x144: {  	v57 =	vld [tilespmem:s7+$0x9E0];
	v1 =	vmax.f32 v1, v2  }
0x145: {  	v2 =	vld [tilespmem:s7+$0xED0];
	v1 =	vmax.f32 v1, v3  }
0x146: {  	v3 =	vld [tilespmem:s7+$0x13C0];
	v1 =	vmax.f32 v1, v4  }
0x147: {  	v58 =	vld [tilespmem:s7+$0x18B0];
	[tilespmem:s6+$0x4F00] =	vst v1  }
0x148: {  	s5 =	sadd.s32 $0x10, s5;
	v0 =	vmax.f32 v0, v6;
	v1 =	vld [tilespmem:s7+$0x1DA0]  }
0x149: {  	s5 =	sand.u32 $0x7F0, s5;
	v59 =	vld [tilespmem:s7+$0x2290];
	v0 =	vmax.f32 v0, v57  }
0x14a: {  	v0 =	vmax.f32 v0, v2;
	v2 =	vld [tilespmem:s5+$0x2780]  }
0x14b: {  	v0 =	vmax.f32 v0, v3;
	v3 =	vld [tilespmem:s7+$0x2C70]  }
0x14c: {  	v60 =	vld [tilespmem:s7+$0x3160];
	v0 =	vmax.f32 v0, v58  }
0x14d: {  	v0 =	vmax.f32 v0, v1;
	v1 =	vld [tilespmem:s7+$0x3650]  }
0x14e: {  	v61 =	vld [tilespmem:s7+$0x3B40];
	v0 =	vmax.f32 v0, v59  }
0x14f: {  	v0 =	vmax.f32 v0, v2;
	v2 =	vld [tilespmem:s7+$0x4030]  }
0x150: {  	v0 =	vmax.f32 v0, v3;
	v3 =	vld [tilespmem:s7+$0x4520]  }
0x151: {  	v62 =	vld [tilespmem:s7+$0x4A10];
	v0 =	vmax.f32 v0, v60  }
0x152: {  	v0 =	vmax.f32 v0, v1  }
0x153: {  	v0 =	vmax.f32 v0, v61  }
0x154: {  	v0 =	vmax.f32 v0, v2  }
0x155: {  	v0 =	vmax.f32 v0, v3  }
0x156: {  	v0 =	vmax.f32 v0, v62  }
0x157: {  	s30 =	simm.s32 $0x4F00;
	s31 =	simm.s32 $0x2;
	s5 =	simm.s32 $0x0;
	[tilespmem:s7+$0x4F00] =	vst v0  }
0x158: {  	[hbm4b:s4+s5] =	stream.linear.scatter [tilespmem:s30], [sflag:$0x2], $0x4F0, $0x38;
	[tilespmem:$0xD000] =	vst v63  }
0x159: {  	_ =	swait.ge [sflag:s31], $0x4F0  }
0x15a: {  	[sflag:s31] =	ssyncset.done $0x0  }
0x15b: {  	[sflag:s31] =	ssyncadd.s32 $0xFFFFFB10  }
0x15c: {  	[bflag:$0x0] =	sbarrier.arrive $0xFFFF  }
0x15d: {  	[tilespmem:s5], [sflag:$0x2] =	stream.linear.gather [hbm4b:s2+s5], $0x4F00, $0x38;
	[tilespmem:$0xD000] =	vst v63  }
0x15e: {  	_ =	swait.ge [sflag:s31], $0x4F00  }
0x15f: {  	[sflag:s31] =	ssyncset.done $0x0  }
0x160: {  	s2 =	simm.s32 $0x0;
	[sflag:s31] =	ssyncadd.s32 $0xFFFFB100  }
0x161: {  	v0 =	vld [tilespmem:s2+$0x9E00]  }
0x162: {  	v1 =	vld [tilespmem:s2+$0xAA80];
	_ =	sdelay $0x5  }
0x163: {  	v2 =	vld [tilespmem:s2+$0xC380]  }
0x164: {  	v0 =	vld.idx.msk [tilespmem:v0+s5+$0x0], $0xffff  }
0x165: {  	v1 =	vld.idx.msk [tilespmem:v1+s5+$0x0], $0xffff;
	_ =	sdelay $0x1  }
0x166: {  	v3 =	vld [tilespmem:s2+$0x9E10];
	_ =	sdelay $0x1  }
0x167: {  	v63 =	vld [tilespmem:s2+$0xAA90]  }
0x168: {  	vm0 =	vge.f32 v2, v0;
	vm1 =	vge.f32 v2, v1  }
0x169: {  	vm2 =	vgt.f32 v2, $0.0e+00;
	vm0 =	vmand vm0, vm1  }
0x16a: {  	vm0 =	vmand vm0, vm2  }
0x16b: {  	v0 =	vnsel vm0, $0x0, v2  }
0x16c: {  	[tilespmem:s2+$0xC380] =	vst v0;
	v0 =	vld [tilespmem:s2+$0xC390]  }
0x16d: {  	v2 =	vld.idx.msk [tilespmem:v3+s5+$0x0], $0xffff;
	_ =	sdelay $0x1  }
0x16e: {  	v3 =	vld.idx.msk [tilespmem:v63+s5+$0x0], $0xffff  }
0x16f: {  	s6 =	simm.s32 $0x20  }
0x170: {  	v1 =	vld [tilespmem:s6+$0x9E00]  }
0x171: {  	vm1 =	vge.f32 v0, v2;
	v2 =	vld [tilespmem:s6+$0xAA80];
	_ =	sdelay $0x1  }
0x172: {  	vm2 =	vge.f32 v0, v3  }
0x173: {  	s4 =	simm.s32 $0x100;
	vm0 =	vgt.f32 v0, $0.0e+00;
	vm1 =	vmand vm1, vm2  }
.LBB2_7:
0x174: {  	p1 =	sne.s32 s4, $0x3080;
	vm0 =	vmand vm1, vm0;
	s7 =	smov.u32 s4;
	s4 =	sadd.s32 $0x80, s4  }
0x175: {  	v0 =	vnsel vm0, $0x0, v0  }
0x176: {  	v3 =	vld [tilespmem:s6+$0xC380];
	[tilespmem:s2+$0xC390] =	vst v0;
	s2 =	smov.u32 s6  }
0x177: {  	v0 =	vld.idx.msk [tilespmem:v1+s5+$0x0], $0xffff  }
0x178: {  	v1 =	vld.idx.msk [tilespmem:v2+s5+$0x0], $0xffff;
	_ =	sdelay $0x1  }
0x179: {  	v2 =	vld [tilespmem:s2+$0xAA90]  }
0x17a: {  	v4 =	vld [tilespmem:s2+$0x9E10];
	_ =	sdelay $0x1  }
0x17b: {  	vm0 =	vge.f32 v3, v0  }
0x17c: {  	vm1 =	vgt.f32 v3, $0.0e+00;
	vm2 =	vge.f32 v3, v1  }
0x17d: {  	vm0 =	vmand vm0, vm2  }
0x17e: {  	vm0 =	vmand vm0, vm1  }
0x17f: {  	v0 =	vnsel vm0, $0x0, v3  }
0x180: {  	[tilespmem:s2+$0xC380] =	vst v0;
	v0 =	vld [tilespmem:s2+$0xC390]  }
0x181: {  	v3 =	vld.idx.msk [tilespmem:v4+s5+$0x0], $0xffff  }
0x182: {  	v4 =	vld.idx.msk [tilespmem:v2+s5+$0x0], $0xffff;
	_ =	sdelay $0x1  }
0x183: {  	s6 =	sshra.s32 s7, $0x2  }
.Ltmp3:
0x184: {  	v1 =	vld [tilespmem:s6+$0x9E00];
	(pc) =	sbr.rel @p1 .LBB2_7-.Ltmp3, $4  }
0x185: {  	v2 =	vld [tilespmem:s6+$0xAA80]  }
0x186: {  	vm0 =	vgt.f32 v0, $0.0e+00;
	vm1 =	vge.f32 v0, v3  }
0x187: {  	vm2 =	vge.f32 v0, v4  }
0x188: {  	vm1 =	vmand vm1, vm2  }
0x189: {  	_ = 	snop  }
0x18a: {  	vm0 =	vmand vm1, vm0  }
0x18b: {  	v0 =	vnsel vm0, $0x0, v0  }
0x18c: {  	v3 =	vld [tilespmem:s6+$0xC380];
	[tilespmem:s2+$0xC390] =	vst v0  }
0x18d: {  	v0 =	vld.idx.msk [tilespmem:v1+s5+$0x0], $0xffff  }
0x18e: {  	v58 =	vld.idx.msk [tilespmem:v2+s5+$0x0], $0xffff;
	_ =	sdelay $0x1  }
0x18f: {  	v59 =	vld [tilespmem:s6+$0x9E10]  }
0x190: {  	v4 =	vld [tilespmem:s6+$0xAA90];
	_ =	sdelay $0x1  }
0x191: {  	vm11 =	vge.f32 v3, v0;
	vm12 =	vge.f32 v3, v58  }
0x192: {  	vm2 =	vgt.f32 v3, $0.0e+00;
	vm0 =	vmand vm11, vm12  }
0x193: {  	vm0 =	vmand vm0, vm2  }
0x194: {  	v60 =	vnsel vm0, $0x0, v3  }
0x195: {  	v61 =	vld [tilespmem:s6+$0xC390];
	[tilespmem:s6+$0xC380] =	vst v60  }
0x196: {  	v62 =	vld.idx.msk [tilespmem:v59+s5+$0x0], $0xffff  }
0x197: {  	v63 =	vld.idx.msk [tilespmem:v4+s5+$0x0], $0xffff;
	_ =	sdelay $0x4  }
0x198: {  	vm13 =	vge.f32 v61, v62;
	vm14 =	vge.f32 v61, v63  }
0x199: {  	vm15 =	vgt.f32 v61, $0.0e+00;
	vm0 =	vmand vm13, vm14  }
0x19a: {  	vm0 =	vmand vm0, vm15  }
0x19b: {  	v0 =	vnsel vm0, $0x0, v61  }
0x19c: {  	s4 =	simm.s32 @p0 $0xC380;
	s2 =	simm.s32 @p0 $0x0;
	[tilespmem:s6+$0xC390] =	vst v0  }
0x19d: {  	[hbm4b:s3+s2] =	stream.linear.scatter @p0 [tilespmem:s4], [sflag:$0x2], $0xB90, $0x38;
	[tilespmem:$0xD000] =	vst v63  }
0x19e: {  	s2 =	simm.s32 @p0 $0x2  }
0x19f: {  	_ =	swait.ge @p0 [sflag:s2], $0xB90  }
0x1a0: {  	[sflag:s2] =	ssyncset.done @p0 $0x0  }
0x1a1: {  	s4 =	simm.s32 @!p0 $0xC380;
	[sflag:s2] =	ssyncadd.s32 @p0 $0xFFFFF470;
	s2 =	simm.s32 @!p0 $0x0  }
0x1a2: {  	[hbm4b:s3+s2] =	stream.linear.scatter @!p0 [tilespmem:s4], [sflag:$0x2], $0xC40, $0x38;
	[tilespmem:$0xD000] =	vst v63  }
0x1a3: {  	s2 =	simm.s32 @!p0 $0x2  }
0x1a4: {  	_ =	swait.ge @!p0 [sflag:s2], $0xC40  }
0x1a5: {  	[sflag:s2] =	ssyncset.done @!p0 $0x0  }
0x1a6: {  	[sflag:s2] =	ssyncadd.s32 @!p0 $0xFFFFF3C0  }
0x1a7: {  	_ =	sfence.sel $0x180000  }
0x1a8: {  	[bflag:$0x0] =	sbarrier.arrive $0xFFFF  }
0x1a9: {  	p0 =	sne.s32 s1, $0x0;
	_ =	strace $0x90000047  }
0x1aa: {  	s0 =	sadd.s32 @!p0 $0x100000, s0;
	[bflag:$0x2] =	sbarrier.arrive $0xFFFF  }
0x1ab: {  	[sflag:s0] =	ssyncadd.tile.s32 @!p0 $0x1;
	_ =	shalt  }
.Lfunc_end2:
_tile_overlayer_lowered:
.L_overlay_start_2:
0x1ac: {  	(tag) =	ssettag $0x2  }
0x1ad: {  	s0 =	rddreg [dreg:$0x0];
	s2 =	stileid.u32  }
0x1ae: {  	s1 =	rddreg [dreg:$0x1];
	p0 =	sne.s32 s2, $0x0  }
0x1af: {  	s3 =	rddreg [dreg:$0x2];
	[bflag:$0x3] =	sbarrier.arrive $0xFFFF;
	s2 =	simm.s32 @!p0 $0x1C02  }
0x1b0: {  	[timem:s3], [sflag:s2] =	dma.local @!p0 [hbm:s0], s1  }
0x1b1: {  	s0 =	simm.s32 @!p0 $0x2  }
0x1b2: {  	_ =	swait.ge @!p0 [sflag:s0], s1  }
0x1b3: {  	s1 =	ssub.s32 @!p0 $0x0, s1;
	[sflag:s0] =	ssyncset.done @!p0 $0x0  }
0x1b4: {  	[sflag:s0] =	ssyncadd.s32 @!p0 s1  }
0x1b5: {  	[bflag:$0x3] =	sbarrier.arrive $0xFFFF  }
0x1b6: {  	_ =	shalt  }

</sc_bundles>
